<compile_context>
chip_gen: v7x
topology: tpu7x:2x2x1
jax: 0.10.2.dev20260603
libtpu: 0.0.44.dev20260713+nightly
codegen_flags: <defaults>
</compile_context>

<pallas_src>
import functools

import jax
import jax.numpy as jnp
from jax import lax
from jax.experimental import pallas as pl
from jax.experimental.pallas import tpu as pltpu
from jax.experimental.pallas import tpu_sc as plsc

VOCAB = 50265
HIDDEN = 768
BATCH = 64
SEQ = 512
EPS = 1e-12

NUM_WORKERS = 32
TOKENS = BATCH * SEQ
TOK_PER_W = TOKENS // NUM_WORKERS
CHUNK = 32
NCHUNK = TOK_PER_W // CHUNK

ROWS_BLK = 4


NBUF = 4


def _sc_gather(table, ids):
    mesh = plsc.VectorSubcoreMesh(core_axis_name="c", subcore_axis_name="s")

    @functools.partial(
        pl.kernel,
        out_type=jax.ShapeDtypeStruct((TOKENS, HIDDEN), jnp.float32),
        mesh=mesh,
        scratch_types=[
            pltpu.VMEM((TOK_PER_W,), jnp.int32),
        ]
        + [pltpu.VMEM((CHUNK, HIDDEN), jnp.float32) for _ in range(NBUF)]
        + [pltpu.SemaphoreType.DMA for _ in range(2 * NBUF)],
    )
    def gather_kernel(table_hbm, idx_hbm, out_hbm, idx_v, *rest):
        bufs = rest[:NBUF]
        gsem = rest[NBUF : 2 * NBUF]
        ssem = rest[2 * NBUF :]
        wid = lax.axis_index("s") * 2 + lax.axis_index("c")
        base = wid * TOK_PER_W
        pltpu.sync_copy(idx_hbm.at[pl.ds(base, TOK_PER_W)], idx_v)

        def gather_desc(cur, b):
            return pltpu.make_async_copy(
                table_hbm.at[idx_v.at[pl.ds(cur * CHUNK, CHUNK)]], bufs[b], gsem[b]
            )

        def store_desc(cur, b):
            return pltpu.make_async_copy(
                bufs[b], out_hbm.at[pl.ds(base + cur * CHUNK, CHUNK)], ssem[b]
            )

        gather_desc(0, 0).start()
        gather_desc(1, 1).start()

        @pl.loop(0, NCHUNK, step=NBUF)
        def _(i):
            for b in range(NBUF):
                cur = i + b
                gather_desc(cur, b).wait()
                store_desc(cur, b).start()
                nxt = cur + 2

                @pl.when(nxt < NCHUNK)
                def _():
                    bn = (b + 2) % NBUF

                    @pl.when(nxt >= NBUF)
                    def _():
                        store_desc(nxt - NBUF, bn).wait()

                    gather_desc(nxt, bn).start()

        for c in range(NCHUNK - NBUF, NCHUNK):
            store_desc(c, c % NBUF).wait()

    return gather_kernel(table, ids)


def _ln_body(x_ref, pos_ref, w_ref, b_ref, o_ref):
    inv = 1.0 / HIDDEN
    for r in range(ROWS_BLK):
        x = x_ref[r] + pos_ref[...]
        u = jnp.sum(x, axis=1, keepdims=True) * inv
        s = jnp.sum(x * x, axis=1, keepdims=True) * inv - u * u
        rstd = lax.rsqrt(s + EPS)
        y = (x - u) * (rstd * w_ref[...]) + b_ref[...]
        o_ref[r] = y.T


def _ln_transpose(gathered, pos, w, b):
    return pl.pallas_call(
        _ln_body,
        grid=(BATCH // ROWS_BLK,),
        in_specs=[
            pl.BlockSpec((ROWS_BLK, SEQ, HIDDEN), lambda i: (i, 0, 0)),
            pl.BlockSpec((SEQ, HIDDEN), lambda i: (0, 0)),
            pl.BlockSpec((1, HIDDEN), lambda i: (0, 0)),
            pl.BlockSpec((1, HIDDEN), lambda i: (0, 0)),
        ],
        out_specs=pl.BlockSpec((ROWS_BLK, HIDDEN, SEQ), lambda i: (i, 0, 0)),
        out_shape=jax.ShapeDtypeStruct((BATCH, HIDDEN, SEQ), jnp.float32),
        compiler_params=pltpu.CompilerParams(
            dimension_semantics=("arbitrary",),
        ),
    )(gathered, pos, w, b)


@jax.jit
def kernel(input_ids, word_embeddings, position_embeddings, ln_weight, ln_bias):
    ids = input_ids.reshape(-1).astype(jnp.int32)
    gathered = _sc_gather(word_embeddings, ids)
    gathered = gathered.reshape(BATCH, SEQ, HIDDEN)
    pos = position_embeddings[:SEQ]
    w = ln_weight.reshape(1, HIDDEN)
    b = ln_bias.reshape(1, HIDDEN)
    return _ln_transpose(gathered, pos, w, b)

# --- scband reference (transcript-rebuilt; emitter-appended) ---
"""Pipeline reference for scband-roberta-embeddings-20005957665186 (READ-ONLY COPY).

The authoritative reference and input builder live on the scoring server;
editing this copy changes nothing except your own understanding.
"""

import jax, jax.numpy as jnp
import numpy as np

VOCAB = 50265
HIDDEN = 768
MAX_POS = 514
BATCH = 64
SEQ = 512
EPS = 1e-12


def setup_inputs(seed: int = 0) -> dict:
    key = jax.random.key(seed)
    k1, k2, k3 = jax.random.split(key, 3)
    input_ids = jax.random.randint(k1, (BATCH, SEQ), 0, VOCAB, dtype=jnp.int64 if jax.config.jax_enable_x64 else jnp.int32)
    word_embeddings = jax.random.normal(k2, (VOCAB, HIDDEN), dtype=jnp.float32) * 0.02
    # padding_idx=0 row zeroed (nn.Embedding padding_idx semantics)
    word_embeddings = word_embeddings.at[0].set(0.0)
    position_embeddings = jax.random.normal(k3, (MAX_POS, HIDDEN), dtype=jnp.float32) * 0.02
    ln_weight = jnp.ones((HIDDEN,), dtype=jnp.float32)
    ln_bias = jnp.zeros((HIDDEN,), dtype=jnp.float32)
    return {
        "input_ids": input_ids,
        "word_embeddings": word_embeddings,
        "position_embeddings": position_embeddings,
        "ln_weight": ln_weight,
        "ln_bias": ln_bias,
    }


def reference(input_ids, word_embeddings, position_embeddings, ln_weight, ln_bias):
    seq_length = input_ids.shape[1]
    position_ids = jnp.arange(seq_length, dtype=input_ids.dtype)
    position_ids = jnp.broadcast_to(position_ids[None, :], input_ids.shape)
    words_emb = jnp.take(word_embeddings, input_ids, axis=0)
    pos_emb = jnp.take(position_embeddings, position_ids, axis=0)
    embeddings = words_emb + pos_emb
    # BertLayerNorm (TF-style, eps inside sqrt)
    u = jnp.mean(embeddings, axis=-1, keepdims=True)
    s = jnp.mean((embeddings - u) ** 2, axis=-1, keepdims=True)
    x = (embeddings - u) / jnp.sqrt(s + EPS)
    embeddings = ln_weight * x + ln_bias
    # dropout is identity in eval mode
    return jnp.transpose(embeddings, (0, 2, 1))

if __name__ == "__main__":
    import jax
    _d = setup_inputs()
    print(jax.jit(kernel)(*tuple(_d.values())))

</pallas_src>

<mosaic_0001>
#map = affine_map<(d0, d1) -> (0, 0)>
#map1 = affine_map<(d0, d1) -> (0)>
module attributes {stable_mosaic.version = 14 : i64} {
  func.func @gather_kernel(%arg0: i32, %arg1: i32, %arg2: memref<50265x768xf32, #tpu.memory_space<hbm>>, %arg3: memref<32768xi32, #tpu.memory_space<hbm>>, %arg4: memref<32768x768xf32, #tpu.memory_space<hbm>>, %arg5: memref<1024xi32, #tpu.memory_space<vmem>>, %arg6: memref<32x768xf32, #tpu.memory_space<vmem>>, %arg7: memref<32x768xf32, #tpu.memory_space<vmem>>, %arg8: memref<32x768xf32, #tpu.memory_space<vmem>>, %arg9: memref<32x768xf32, #tpu.memory_space<vmem>>, %arg10: memref<!tpu.dma_semaphore, #tpu.memory_space<semaphore_mem>>, %arg11: memref<!tpu.dma_semaphore, #tpu.memory_space<semaphore_mem>>, %arg12: memref<!tpu.dma_semaphore, #tpu.memory_space<semaphore_mem>>, %arg13: memref<!tpu.dma_semaphore, #tpu.memory_space<semaphore_mem>>, %arg14: memref<!tpu.dma_semaphore, #tpu.memory_space<semaphore_mem>>, %arg15: memref<!tpu.dma_semaphore, #tpu.memory_space<semaphore_mem>>, %arg16: memref<!tpu.dma_semaphore, #tpu.memory_space<semaphore_mem>>, %arg17: memref<!tpu.dma_semaphore, #tpu.memory_space<semaphore_mem>>) attributes {dimension_semantics = [#tpu.dimension_semantics<core_parallel>, #tpu.dimension_semantics<subcore_parallel>], iteration_bounds = array<i64: 2, 16>, scalar_prefetch = 0 : i64, scratch_operands = 13 : i64, tpu.core_type = #tpu.core_type<sc_vector_subcore>, window_params = [{transform_indices = #map}, {transform_indices = #map1}, {transform_indices = #map}]} {
    %mul3A = arith.constant 2 : i32
    %mul3A_0 = arith.muli %arg1, %mul3A : i32
    %add3A = arith.addi %mul3A_0, %arg0 : i32
    %mul3A_1 = arith.constant 1024 : i32
    %mul3A_2 = arith.muli %add3A, %mul3A_1 : i32
    "tpu.region"() ({
      %run_scoped3A = tpu.sem_alloc : memref<!tpu.dma_semaphore, #tpu.memory_space<semaphore_mem>>
      %dma_start3A_39 = tpu.memref_slice %arg3[%mul3A_2] : memref<32768xi32, #tpu.memory_space<hbm>> -> memref<1024xi32, #tpu.memory_space<hbm>>
      %dma_start3A_40 = tpu.memref_slice %arg3[%mul3A_2] : memref<32768xi32, #tpu.memory_space<hbm>> -> memref<1024xi32, #tpu.memory_space<hbm>>
      tpu.enqueue_dma source(%dma_start3A_40 : memref<1024xi32, #tpu.memory_space<hbm>>) target(%arg5 : memref<1024xi32, #tpu.memory_space<vmem>>) target_semaphore(%run_scoped3A : memref<!tpu.dma_semaphore, #tpu.memory_space<semaphore_mem>>)
      %dma_wait3A_41 = tpu.memref_slice %arg3[%mul3A_2] : memref<32768xi32, #tpu.memory_space<hbm>> -> memref<1024xi32, #tpu.memory_space<hbm>>
      %dma_wait3A_42 = tpu.memref_slice %arg3[%mul3A_2] : memref<32768xi32, #tpu.memory_space<hbm>> -> memref<1024xi32, #tpu.memory_space<hbm>>
      tpu.wait_dma2 semaphore(%run_scoped3A : memref<!tpu.dma_semaphore, #tpu.memory_space<semaphore_mem>>) src(%dma_wait3A_42 : memref<1024xi32, #tpu.memory_space<hbm>>) dst(%arg5 : memref<1024xi32, #tpu.memory_space<vmem>>)
      tpu.yield
    }) : () -> ()
    %dma_start3A = arith.constant 0 : i32
    %dma_start3A_3 = tpu.memref_slice %arg5[%dma_start3A] : memref<1024xi32, #tpu.memory_space<vmem>> -> memref<32xi32, #tpu.memory_space<vmem>>
    %dma_start3A_4 = arith.constant 0 : i32
    %dma_start3A_5 = arith.constant 0 : i32
    %dma_start3A_6 = tpu.memref_slice %arg2[%dma_start3A_4, %dma_start3A_5] : memref<50265x768xf32, #tpu.memory_space<hbm>> -> memref<50265x768xf32, #tpu.memory_space<hbm>>
    tpu.enqueue_indirect_dma source(%dma_start3A_6 : memref<50265x768xf32, #tpu.memory_space<hbm>>) target(%arg6 : memref<32x768xf32, #tpu.memory_space<vmem>>) offsets(%dma_start3A_3 : memref<32xi32, #tpu.memory_space<vmem>>) semaphore(%arg10 : memref<!tpu.dma_semaphore, #tpu.memory_space<semaphore_mem>>)
    %dma_start3A_7 = arith.constant 32 : i32
    %dma_start3A_8 = tpu.memref_slice %arg5[%dma_start3A_7] : memref<1024xi32, #tpu.memory_space<vmem>> -> memref<32xi32, #tpu.memory_space<vmem>>
    %dma_start3A_9 = arith.constant 0 : i32
    %dma_start3A_10 = arith.constant 0 : i32
    %dma_start3A_11 = tpu.memref_slice %arg2[%dma_start3A_9, %dma_start3A_10] : memref<50265x768xf32, #tpu.memory_space<hbm>> -> memref<50265x768xf32, #tpu.memory_space<hbm>>
    tpu.enqueue_indirect_dma source(%dma_start3A_11 : memref<50265x768xf32, #tpu.memory_space<hbm>>) target(%arg7 : memref<32x768xf32, #tpu.memory_space<vmem>>) offsets(%dma_start3A_8 : memref<32xi32, #tpu.memory_space<vmem>>) semaphore(%arg11 : memref<!tpu.dma_semaphore, #tpu.memory_space<semaphore_mem>>)
    %scan3A = arith.constant 0 : i32
    %scan3A_12 = arith.constant 8 : i32
    %scan3A_13 = arith.addi %scan3A, %scan3A_12 : i32
    %scan3A_14 = arith.constant 1 : i32
    scf.for %scan3A_39 = %scan3A to %scan3A_13 step %scan3A_14  : i32 {
      %mul3A_40 = arith.constant 4 : i32
      %mul3A_41 = arith.muli %scan3A_39, %mul3A_40 : i32
      %add3A_42 = arith.constant 0 : i32
      %add3A_43 = arith.addi %add3A_42, %mul3A_41 : i32
      %add3A_44 = arith.constant 0 : i32
      %add3A_45 = arith.addi %add3A_43, %add3A_44 : i32
      %mul3A_46 = arith.constant 32 : i32
      %mul3A_47 = arith.muli %add3A_45, %mul3A_46 : i32
      %dma_wait3A_48 = tpu.memref_slice %arg5[%mul3A_47] : memref<1024xi32, #tpu.memory_space<vmem>> -> memref<32xi32, #tpu.memory_space<vmem>>
      %dma_wait3A_49 = arith.constant 0 : i32
      %dma_wait3A_50 = arith.constant 0 : i32
      %dma_wait3A_51 = tpu.memref_slice %arg2[%dma_wait3A_49, %dma_wait3A_50] : memref<50265x768xf32, #tpu.memory_space<hbm>> -> memref<50265x768xf32, #tpu.memory_space<hbm>>
      tpu.wait_indirect_dma semaphore(%arg10 : memref<!tpu.dma_semaphore, #tpu.memory_space<semaphore_mem>>) src(%dma_wait3A_51 : memref<50265x768xf32, #tpu.memory_space<hbm>>) dst(%arg6 : memref<32x768xf32, #tpu.memory_space<vmem>>)
      %mul3A_52 = arith.constant 32 : i32
      %mul3A_53 = arith.muli %add3A_45, %mul3A_52 : i32
      %add3A_54 = arith.addi %mul3A_2, %mul3A_53 : i32
      %dma_start3A_55 = arith.constant 0 : i32
      %dma_start3A_56 = tpu.memref_slice %arg4[%add3A_54, %dma_start3A_55] : memref<32768x768xf32, #tpu.memory_space<hbm>> -> memref<32x768xf32, #tpu.memory_space<hbm>>
      %dma_start3A_57 = arith.constant 0 : i32
      %dma_start3A_58 = tpu.memref_slice %arg4[%add3A_54, %dma_start3A_57] : memref<32768x768xf32, #tpu.memory_space<hbm>> -> memref<32x768xf32, #tpu.memory_space<hbm>>
      tpu.enqueue_dma source(%arg6 : memref<32x768xf32, #tpu.memory_space<vmem>>) target(%dma_start3A_58 : memref<32x768xf32, #tpu.memory_space<hbm>>) target_semaphore(%arg14 : memref<!tpu.dma_semaphore, #tpu.memory_space<semaphore_mem>>)
      %add3A_59 = arith.constant 2 : i32
      %add3A_60 = arith.addi %add3A_45, %add3A_59 : i32
      %lt3A = arith.constant 32 : i32
      %lt3A_61 = arith.cmpi slt, %add3A_60, %lt3A : i32
      %convert_element_type3A = arith.extui %lt3A_61 : i1 to i32
      %cond3A = arith.constant 0 : i32
      %cond3A_62 = arith.cmpi ne, %convert_element_type3A, %cond3A : i32
      scf.if %cond3A_62 {
        %ge3A = arith.constant 4 : i32
        %ge3A_129 = arith.cmpi sge, %add3A_60, %ge3A : i32
        %convert_element_type3A_130 = arith.extui %ge3A_129 : i1 to i32
        %cond3A_131 = arith.constant 0 : i32
        %cond3A_132 = arith.cmpi ne, %convert_element_type3A_130, %cond3A_131 : i32
        scf.if %cond3A_132 {
          %sub3A = arith.constant 4 : i32
          %sub3A_139 = arith.subi %add3A_60, %sub3A : i32
          %mul3A_140 = arith.constant 32 : i32
          %mul3A_141 = arith.muli %sub3A_139, %mul3A_140 : i32
          %add3A_142 = arith.addi %mul3A_2, %mul3A_141 : i32
          %dma_wait3A_143 = arith.constant 0 : i32
          %dma_wait3A_144 = tpu.memref_slice %arg4[%add3A_142, %dma_wait3A_143] : memref<32768x768xf32, #tpu.memory_space<hbm>> -> memref<32x768xf32, #tpu.memory_space<hbm>>
          %dma_wait3A_145 = arith.constant 0 : i32
          %dma_wait3A_146 = tpu.memref_slice %arg4[%add3A_142, %dma_wait3A_145] : memref<32768x768xf32, #tpu.memory_space<hbm>> -> memref<32x768xf32, #tpu.memory_space<hbm>>
          tpu.wait_dma2 semaphore(%arg16 : memref<!tpu.dma_semaphore, #tpu.memory_space<semaphore_mem>>) src(%arg8 : memref<32x768xf32, #tpu.memory_space<vmem>>) dst(%dma_wait3A_146 : memref<32x768xf32, #tpu.memory_space<hbm>>)
        } else {
        }
        %mul3A_133 = arith.constant 32 : i32
        %mul3A_134 = arith.muli %add3A_60, %mul3A_133 : i32
        %dma_start3A_135 = tpu.memref_slice %arg5[%mul3A_134] : memref<1024xi32, #tpu.memory_space<vmem>> -> memref<32xi32, #tpu.memory_space<vmem>>
        %dma_start3A_136 = arith.constant 0 : i32
        %dma_start3A_137 = arith.constant 0 : i32
        %dma_start3A_138 = tpu.memref_slice %arg2[%dma_start3A_136, %dma_start3A_137] : memref<50265x768xf32, #tpu.memory_space<hbm>> -> memref<50265x768xf32, #tpu.memory_space<hbm>>
        tpu.enqueue_indirect_dma source(%dma_start3A_138 : memref<50265x768xf32, #tpu.memory_space<hbm>>) target(%arg8 : memref<32x768xf32, #tpu.memory_space<vmem>>) offsets(%dma_start3A_135 : memref<32xi32, #tpu.memory_space<vmem>>) semaphore(%arg12 : memref<!tpu.dma_semaphore, #tpu.memory_space<semaphore_mem>>)
      } else {
      }
      %add3A_63 = arith.constant 1 : i32
      %add3A_64 = arith.addi %add3A_43, %add3A_63 : i32
      %mul3A_65 = arith.constant 32 : i32
      %mul3A_66 = arith.muli %add3A_64, %mul3A_65 : i32
      %dma_wait3A_67 = tpu.memref_slice %arg5[%mul3A_66] : memref<1024xi32, #tpu.memory_space<vmem>> -> memref<32xi32, #tpu.memory_space<vmem>>
      %dma_wait3A_68 = arith.constant 0 : i32
      %dma_wait3A_69 = arith.constant 0 : i32
      %dma_wait3A_70 = tpu.memref_slice %arg2[%dma_wait3A_68, %dma_wait3A_69] : memref<50265x768xf32, #tpu.memory_space<hbm>> -> memref<50265x768xf32, #tpu.memory_space<hbm>>
      tpu.wait_indirect_dma semaphore(%arg11 : memref<!tpu.dma_semaphore, #tpu.memory_space<semaphore_mem>>) src(%dma_wait3A_70 : memref<50265x768xf32, #tpu.memory_space<hbm>>) dst(%arg7 : memref<32x768xf32, #tpu.memory_space<vmem>>)
      %mul3A_71 = arith.constant 32 : i32
      %mul3A_72 = arith.muli %add3A_64, %mul3A_71 : i32
      %add3A_73 = arith.addi %mul3A_2, %mul3A_72 : i32
      %dma_start3A_74 = arith.constant 0 : i32
      %dma_start3A_75 = tpu.memref_slice %arg4[%add3A_73, %dma_start3A_74] : memref<32768x768xf32, #tpu.memory_space<hbm>> -> memref<32x768xf32, #tpu.memory_space<hbm>>
      %dma_start3A_76 = arith.constant 0 : i32
      %dma_start3A_77 = tpu.memref_slice %arg4[%add3A_73, %dma_start3A_76] : memref<32768x768xf32, #tpu.memory_space<hbm>> -> memref<32x768xf32, #tpu.memory_space<hbm>>
      tpu.enqueue_dma source(%arg7 : memref<32x768xf32, #tpu.memory_space<vmem>>) target(%dma_start3A_77 : memref<32x768xf32, #tpu.memory_space<hbm>>) target_semaphore(%arg15 : memref<!tpu.dma_semaphore, #tpu.memory_space<semaphore_mem>>)
      %add3A_78 = arith.constant 2 : i32
      %add3A_79 = arith.addi %add3A_64, %add3A_78 : i32
      %lt3A_80 = arith.constant 32 : i32
      %lt3A_81 = arith.cmpi slt, %add3A_79, %lt3A_80 : i32
      %convert_element_type3A_82 = arith.extui %lt3A_81 : i1 to i32
      %cond3A_83 = arith.constant 0 : i32
      %cond3A_84 = arith.cmpi ne, %convert_element_type3A_82, %cond3A_83 : i32
      scf.if %cond3A_84 {
        %ge3A = arith.constant 4 : i32
        %ge3A_129 = arith.cmpi sge, %add3A_79, %ge3A : i32
        %convert_element_type3A_130 = arith.extui %ge3A_129 : i1 to i32
        %cond3A_131 = arith.constant 0 : i32
        %cond3A_132 = arith.cmpi ne, %convert_element_type3A_130, %cond3A_131 : i32
        scf.if %cond3A_132 {
          %sub3A = arith.constant 4 : i32
          %sub3A_139 = arith.subi %add3A_79, %sub3A : i32
          %mul3A_140 = arith.constant 32 : i32
          %mul3A_141 = arith.muli %sub3A_139, %mul3A_140 : i32
          %add3A_142 = arith.addi %mul3A_2, %mul3A_141 : i32
          %dma_wait3A_143 = arith.constant 0 : i32
          %dma_wait3A_144 = tpu.memref_slice %arg4[%add3A_142, %dma_wait3A_143] : memref<32768x768xf32, #tpu.memory_space<hbm>> -> memref<32x768xf32, #tpu.memory_space<hbm>>
          %dma_wait3A_145 = arith.constant 0 : i32
          %dma_wait3A_146 = tpu.memref_slice %arg4[%add3A_142, %dma_wait3A_145] : memref<32768x768xf32, #tpu.memory_space<hbm>> -> memref<32x768xf32, #tpu.memory_space<hbm>>
          tpu.wait_dma2 semaphore(%arg17 : memref<!tpu.dma_semaphore, #tpu.memory_space<semaphore_mem>>) src(%arg9 : memref<32x768xf32, #tpu.memory_space<vmem>>) dst(%dma_wait3A_146 : memref<32x768xf32, #tpu.memory_space<hbm>>)
        } else {
        }
        %mul3A_133 = arith.constant 32 : i32
        %mul3A_134 = arith.muli %add3A_79, %mul3A_133 : i32
        %dma_start3A_135 = tpu.memref_slice %arg5[%mul3A_134] : memref<1024xi32, #tpu.memory_space<vmem>> -> memref<32xi32, #tpu.memory_space<vmem>>
        %dma_start3A_136 = arith.constant 0 : i32
        %dma_start3A_137 = arith.constant 0 : i32
        %dma_start3A_138 = tpu.memref_slice %arg2[%dma_start3A_136, %dma_start3A_137] : memref<50265x768xf32, #tpu.memory_space<hbm>> -> memref<50265x768xf32, #tpu.memory_space<hbm>>
        tpu.enqueue_indirect_dma source(%dma_start3A_138 : memref<50265x768xf32, #tpu.memory_space<hbm>>) target(%arg9 : memref<32x768xf32, #tpu.memory_space<vmem>>) offsets(%dma_start3A_135 : memref<32xi32, #tpu.memory_space<vmem>>) semaphore(%arg13 : memref<!tpu.dma_semaphore, #tpu.memory_space<semaphore_mem>>)
      } else {
      }
      %add3A_85 = arith.constant 2 : i32
      %add3A_86 = arith.addi %add3A_43, %add3A_85 : i32
      %mul3A_87 = arith.constant 32 : i32
      %mul3A_88 = arith.muli %add3A_86, %mul3A_87 : i32
      %dma_wait3A_89 = tpu.memref_slice %arg5[%mul3A_88] : memref<1024xi32, #tpu.memory_space<vmem>> -> memref<32xi32, #tpu.memory_space<vmem>>
      %dma_wait3A_90 = arith.constant 0 : i32
      %dma_wait3A_91 = arith.constant 0 : i32
      %dma_wait3A_92 = tpu.memref_slice %arg2[%dma_wait3A_90, %dma_wait3A_91] : memref<50265x768xf32, #tpu.memory_space<hbm>> -> memref<50265x768xf32, #tpu.memory_space<hbm>>
      tpu.wait_indirect_dma semaphore(%arg12 : memref<!tpu.dma_semaphore, #tpu.memory_space<semaphore_mem>>) src(%dma_wait3A_92 : memref<50265x768xf32, #tpu.memory_space<hbm>>) dst(%arg8 : memref<32x768xf32, #tpu.memory_space<vmem>>)
      %mul3A_93 = arith.constant 32 : i32
      %mul3A_94 = arith.muli %add3A_86, %mul3A_93 : i32
      %add3A_95 = arith.addi %mul3A_2, %mul3A_94 : i32
      %dma_start3A_96 = arith.constant 0 : i32
      %dma_start3A_97 = tpu.memref_slice %arg4[%add3A_95, %dma_start3A_96] : memref<32768x768xf32, #tpu.memory_space<hbm>> -> memref<32x768xf32, #tpu.memory_space<hbm>>
      %dma_start3A_98 = arith.constant 0 : i32
      %dma_start3A_99 = tpu.memref_slice %arg4[%add3A_95, %dma_start3A_98] : memref<32768x768xf32, #tpu.memory_space<hbm>> -> memref<32x768xf32, #tpu.memory_space<hbm>>
      tpu.enqueue_dma source(%arg8 : memref<32x768xf32, #tpu.memory_space<vmem>>) target(%dma_start3A_99 : memref<32x768xf32, #tpu.memory_space<hbm>>) target_semaphore(%arg16 : memref<!tpu.dma_semaphore, #tpu.memory_space<semaphore_mem>>)
      %add3A_100 = arith.constant 2 : i32
      %add3A_101 = arith.addi %add3A_86, %add3A_100 : i32
      %lt3A_102 = arith.constant 32 : i32
      %lt3A_103 = arith.cmpi slt, %add3A_101, %lt3A_102 : i32
      %convert_element_type3A_104 = arith.extui %lt3A_103 : i1 to i32
      %cond3A_105 = arith.constant 0 : i32
      %cond3A_106 = arith.cmpi ne, %convert_element_type3A_104, %cond3A_105 : i32
      scf.if %cond3A_106 {
        %ge3A = arith.constant 4 : i32
        %ge3A_129 = arith.cmpi sge, %add3A_101, %ge3A : i32
        %convert_element_type3A_130 = arith.extui %ge3A_129 : i1 to i32
        %cond3A_131 = arith.constant 0 : i32
        %cond3A_132 = arith.cmpi ne, %convert_element_type3A_130, %cond3A_131 : i32
        scf.if %cond3A_132 {
          %sub3A = arith.constant 4 : i32
          %sub3A_139 = arith.subi %add3A_101, %sub3A : i32
          %mul3A_140 = arith.constant 32 : i32
          %mul3A_141 = arith.muli %sub3A_139, %mul3A_140 : i32
          %add3A_142 = arith.addi %mul3A_2, %mul3A_141 : i32
          %dma_wait3A_143 = arith.constant 0 : i32
          %dma_wait3A_144 = tpu.memref_slice %arg4[%add3A_142, %dma_wait3A_143] : memref<32768x768xf32, #tpu.memory_space<hbm>> -> memref<32x768xf32, #tpu.memory_space<hbm>>
          %dma_wait3A_145 = arith.constant 0 : i32
          %dma_wait3A_146 = tpu.memref_slice %arg4[%add3A_142, %dma_wait3A_145] : memref<32768x768xf32, #tpu.memory_space<hbm>> -> memref<32x768xf32, #tpu.memory_space<hbm>>
          tpu.wait_dma2 semaphore(%arg14 : memref<!tpu.dma_semaphore, #tpu.memory_space<semaphore_mem>>) src(%arg6 : memref<32x768xf32, #tpu.memory_space<vmem>>) dst(%dma_wait3A_146 : memref<32x768xf32, #tpu.memory_space<hbm>>)
        } else {
        }
        %mul3A_133 = arith.constant 32 : i32
        %mul3A_134 = arith.muli %add3A_101, %mul3A_133 : i32
        %dma_start3A_135 = tpu.memref_slice %arg5[%mul3A_134] : memref<1024xi32, #tpu.memory_space<vmem>> -> memref<32xi32, #tpu.memory_space<vmem>>
        %dma_start3A_136 = arith.constant 0 : i32
        %dma_start3A_137 = arith.constant 0 : i32
        %dma_start3A_138 = tpu.memref_slice %arg2[%dma_start3A_136, %dma_start3A_137] : memref<50265x768xf32, #tpu.memory_space<hbm>> -> memref<50265x768xf32, #tpu.memory_space<hbm>>
        tpu.enqueue_indirect_dma source(%dma_start3A_138 : memref<50265x768xf32, #tpu.memory_space<hbm>>) target(%arg6 : memref<32x768xf32, #tpu.memory_space<vmem>>) offsets(%dma_start3A_135 : memref<32xi32, #tpu.memory_space<vmem>>) semaphore(%arg10 : memref<!tpu.dma_semaphore, #tpu.memory_space<semaphore_mem>>)
      } else {
      }
      %add3A_107 = arith.constant 3 : i32
      %add3A_108 = arith.addi %add3A_43, %add3A_107 : i32
      %mul3A_109 = arith.constant 32 : i32
      %mul3A_110 = arith.muli %add3A_108, %mul3A_109 : i32
      %dma_wait3A_111 = tpu.memref_slice %arg5[%mul3A_110] : memref<1024xi32, #tpu.memory_space<vmem>> -> memref<32xi32, #tpu.memory_space<vmem>>
      %dma_wait3A_112 = arith.constant 0 : i32
      %dma_wait3A_113 = arith.constant 0 : i32
      %dma_wait3A_114 = tpu.memref_slice %arg2[%dma_wait3A_112, %dma_wait3A_113] : memref<50265x768xf32, #tpu.memory_space<hbm>> -> memref<50265x768xf32, #tpu.memory_space<hbm>>
      tpu.wait_indirect_dma semaphore(%arg13 : memref<!tpu.dma_semaphore, #tpu.memory_space<semaphore_mem>>) src(%dma_wait3A_114 : memref<50265x768xf32, #tpu.memory_space<hbm>>) dst(%arg9 : memref<32x768xf32, #tpu.memory_space<vmem>>)
      %mul3A_115 = arith.constant 32 : i32
      %mul3A_116 = arith.muli %add3A_108, %mul3A_115 : i32
      %add3A_117 = arith.addi %mul3A_2, %mul3A_116 : i32
      %dma_start3A_118 = arith.constant 0 : i32
      %dma_start3A_119 = tpu.memref_slice %arg4[%add3A_117, %dma_start3A_118] : memref<32768x768xf32, #tpu.memory_space<hbm>> -> memref<32x768xf32, #tpu.memory_space<hbm>>
      %dma_start3A_120 = arith.constant 0 : i32
      %dma_start3A_121 = tpu.memref_slice %arg4[%add3A_117, %dma_start3A_120] : memref<32768x768xf32, #tpu.memory_space<hbm>> -> memref<32x768xf32, #tpu.memory_space<hbm>>
      tpu.enqueue_dma source(%arg9 : memref<32x768xf32, #tpu.memory_space<vmem>>) target(%dma_start3A_121 : memref<32x768xf32, #tpu.memory_space<hbm>>) target_semaphore(%arg17 : memref<!tpu.dma_semaphore, #tpu.memory_space<semaphore_mem>>)
      %add3A_122 = arith.constant 2 : i32
      %add3A_123 = arith.addi %add3A_108, %add3A_122 : i32
      %lt3A_124 = arith.constant 32 : i32
      %lt3A_125 = arith.cmpi slt, %add3A_123, %lt3A_124 : i32
      %convert_element_type3A_126 = arith.extui %lt3A_125 : i1 to i32
      %cond3A_127 = arith.constant 0 : i32
      %cond3A_128 = arith.cmpi ne, %convert_element_type3A_126, %cond3A_127 : i32
      scf.if %cond3A_128 {
        %ge3A = arith.constant 4 : i32
        %ge3A_129 = arith.cmpi sge, %add3A_123, %ge3A : i32
        %convert_element_type3A_130 = arith.extui %ge3A_129 : i1 to i32
        %cond3A_131 = arith.constant 0 : i32
        %cond3A_132 = arith.cmpi ne, %convert_element_type3A_130, %cond3A_131 : i32
        scf.if %cond3A_132 {
          %sub3A = arith.constant 4 : i32
          %sub3A_139 = arith.subi %add3A_123, %sub3A : i32
          %mul3A_140 = arith.constant 32 : i32
          %mul3A_141 = arith.muli %sub3A_139, %mul3A_140 : i32
          %add3A_142 = arith.addi %mul3A_2, %mul3A_141 : i32
          %dma_wait3A_143 = arith.constant 0 : i32
          %dma_wait3A_144 = tpu.memref_slice %arg4[%add3A_142, %dma_wait3A_143] : memref<32768x768xf32, #tpu.memory_space<hbm>> -> memref<32x768xf32, #tpu.memory_space<hbm>>
          %dma_wait3A_145 = arith.constant 0 : i32
          %dma_wait3A_146 = tpu.memref_slice %arg4[%add3A_142, %dma_wait3A_145] : memref<32768x768xf32, #tpu.memory_space<hbm>> -> memref<32x768xf32, #tpu.memory_space<hbm>>
          tpu.wait_dma2 semaphore(%arg15 : memref<!tpu.dma_semaphore, #tpu.memory_space<semaphore_mem>>) src(%arg7 : memref<32x768xf32, #tpu.memory_space<vmem>>) dst(%dma_wait3A_146 : memref<32x768xf32, #tpu.memory_space<hbm>>)
        } else {
        }
        %mul3A_133 = arith.constant 32 : i32
        %mul3A_134 = arith.muli %add3A_123, %mul3A_133 : i32
        %dma_start3A_135 = tpu.memref_slice %arg5[%mul3A_134] : memref<1024xi32, #tpu.memory_space<vmem>> -> memref<32xi32, #tpu.memory_space<vmem>>
        %dma_start3A_136 = arith.constant 0 : i32
        %dma_start3A_137 = arith.constant 0 : i32
        %dma_start3A_138 = tpu.memref_slice %arg2[%dma_start3A_136, %dma_start3A_137] : memref<50265x768xf32, #tpu.memory_space<hbm>> -> memref<50265x768xf32, #tpu.memory_space<hbm>>
        tpu.enqueue_indirect_dma source(%dma_start3A_138 : memref<50265x768xf32, #tpu.memory_space<hbm>>) target(%arg7 : memref<32x768xf32, #tpu.memory_space<vmem>>) offsets(%dma_start3A_135 : memref<32xi32, #tpu.memory_space<vmem>>) semaphore(%arg11 : memref<!tpu.dma_semaphore, #tpu.memory_space<semaphore_mem>>)
      } else {
      }
    }
    %scan3A_15 = arith.constant 8 : i32
    %add3A_16 = arith.constant 896 : i32
    %add3A_17 = arith.addi %mul3A_2, %add3A_16 : i32
    %dma_wait3A = arith.constant 0 : i32
    %dma_wait3A_18 = tpu.memref_slice %arg4[%add3A_17, %dma_wait3A] : memref<32768x768xf32, #tpu.memory_space<hbm>> -> memref<32x768xf32, #tpu.memory_space<hbm>>
    %dma_wait3A_19 = arith.constant 0 : i32
    %dma_wait3A_20 = tpu.memref_slice %arg4[%add3A_17, %dma_wait3A_19] : memref<32768x768xf32, #tpu.memory_space<hbm>> -> memref<32x768xf32, #tpu.memory_space<hbm>>
    tpu.wait_dma2 semaphore(%arg14 : memref<!tpu.dma_semaphore, #tpu.memory_space<semaphore_mem>>) src(%arg6 : memref<32x768xf32, #tpu.memory_space<vmem>>) dst(%dma_wait3A_20 : memref<32x768xf32, #tpu.memory_space<hbm>>)
    %add3A_21 = arith.constant 928 : i32
    %add3A_22 = arith.addi %mul3A_2, %add3A_21 : i32
    %dma_wait3A_23 = arith.constant 0 : i32
    %dma_wait3A_24 = tpu.memref_slice %arg4[%add3A_22, %dma_wait3A_23] : memref<32768x768xf32, #tpu.memory_space<hbm>> -> memref<32x768xf32, #tpu.memory_space<hbm>>
    %dma_wait3A_25 = arith.constant 0 : i32
    %dma_wait3A_26 = tpu.memref_slice %arg4[%add3A_22, %dma_wait3A_25] : memref<32768x768xf32, #tpu.memory_space<hbm>> -> memref<32x768xf32, #tpu.memory_space<hbm>>
    tpu.wait_dma2 semaphore(%arg15 : memref<!tpu.dma_semaphore, #tpu.memory_space<semaphore_mem>>) src(%arg7 : memref<32x768xf32, #tpu.memory_space<vmem>>) dst(%dma_wait3A_26 : memref<32x768xf32, #tpu.memory_space<hbm>>)
    %add3A_27 = arith.constant 960 : i32
    %add3A_28 = arith.addi %mul3A_2, %add3A_27 : i32
    %dma_wait3A_29 = arith.constant 0 : i32
    %dma_wait3A_30 = tpu.memref_slice %arg4[%add3A_28, %dma_wait3A_29] : memref<32768x768xf32, #tpu.memory_space<hbm>> -> memref<32x768xf32, #tpu.memory_space<hbm>>
    %dma_wait3A_31 = arith.constant 0 : i32
    %dma_wait3A_32 = tpu.memref_slice %arg4[%add3A_28, %dma_wait3A_31] : memref<32768x768xf32, #tpu.memory_space<hbm>> -> memref<32x768xf32, #tpu.memory_space<hbm>>
    tpu.wait_dma2 semaphore(%arg16 : memref<!tpu.dma_semaphore, #tpu.memory_space<semaphore_mem>>) src(%arg8 : memref<32x768xf32, #tpu.memory_space<vmem>>) dst(%dma_wait3A_32 : memref<32x768xf32, #tpu.memory_space<hbm>>)
    %add3A_33 = arith.constant 992 : i32
    %add3A_34 = arith.addi %mul3A_2, %add3A_33 : i32
    %dma_wait3A_35 = arith.constant 0 : i32
    %dma_wait3A_36 = tpu.memref_slice %arg4[%add3A_34, %dma_wait3A_35] : memref<32768x768xf32, #tpu.memory_space<hbm>> -> memref<32x768xf32, #tpu.memory_space<hbm>>
    %dma_wait3A_37 = arith.constant 0 : i32
    %dma_wait3A_38 = tpu.memref_slice %arg4[%add3A_34, %dma_wait3A_37] : memref<32768x768xf32, #tpu.memory_space<hbm>> -> memref<32x768xf32, #tpu.memory_space<hbm>>
    tpu.wait_dma2 semaphore(%arg17 : memref<!tpu.dma_semaphore, #tpu.memory_space<semaphore_mem>>) src(%arg9 : memref<32x768xf32, #tpu.memory_space<vmem>>) dst(%dma_wait3A_38 : memref<32x768xf32, #tpu.memory_space<hbm>>)
    return
  }
}

module attributes {stable_mosaic.version = 14 : i64} {
  func.func @_ln_body(%arg0: i32, %arg1: memref<4x512x768xf32, #tpu.memory_space<vmem>>, %arg2: memref<512x768xf32, #tpu.memory_space<vmem>>, %arg3: memref<1x768xf32, #tpu.memory_space<vmem>>, %arg4: memref<1x768xf32, #tpu.memory_space<vmem>>, %arg5: memref<4x768x512xf32, #tpu.memory_space<vmem>>) attributes {dimension_semantics = [#tpu.dimension_semantics<arbitrary>], iteration_bounds = array<i64: 16>, scalar_prefetch = 0 : i64, scratch_operands = 0 : i64, tpu.core_type = #tpu.core_type<tc>, window_params = [{transform_indices = @transform_0, window_bounds = array<i64: 4, 512, 768>}, {pipeline_mode = #tpu.pipeline_mode<synchronous>, transform_indices = @transform_1, window_bounds = array<i64: 512, 768>}, {pipeline_mode = #tpu.pipeline_mode<synchronous>, transform_indices = @transform_2, window_bounds = array<i64: 1, 768>}, {pipeline_mode = #tpu.pipeline_mode<synchronous>, transform_indices = @transform_3, window_bounds = array<i64: 1, 768>}, {transform_indices = @transform_4, window_bounds = array<i64: 4, 768, 512>}]} {
    %get3A = arith.constant 0 : index
    %get3A_0 = arith.constant 0 : index
    %get3A_1 = arith.constant 0 : index
    %get3A_2 = vector.load %arg1[%get3A, %get3A_0, %get3A_1] : memref<4x512x768xf32, #tpu.memory_space<vmem>>, vector<1x512x768xf32>
    %get3A_3 = vector.shape_cast %get3A_2 : vector<1x512x768xf32> to vector<512x768xf32>
    %get3A_4 = arith.constant 0 : index
    %get3A_5 = arith.constant 0 : index
    %get3A_6 = vector.load %arg2[%get3A_4, %get3A_5] : memref<512x768xf32, #tpu.memory_space<vmem>>, vector<512x768xf32>
    %add3A = arith.addf %get3A_3, %get3A_6 : vector<512x768xf32>
    %reduce_sum3A = arith.constant dense<0.000000e+00> : vector<512xf32>
    %reduce_sum3A_7 = vector.multi_reduction <add>, %add3A, %reduce_sum3A [1] : vector<512x768xf32> to vector<512xf32>
    %broadcast_in_dim3A = vector.shape_cast %reduce_sum3A_7 : vector<512xf32> to vector<512x1xf32>
    %mul3A = arith.constant 0.00130208337 : f32
    %mul3A_8 = vector.broadcast %mul3A : f32 to vector<512x1xf32>
    %mul3A_9 = arith.mulf %broadcast_in_dim3A, %mul3A_8 : vector<512x1xf32>
    %mul3A_10 = arith.mulf %add3A, %add3A : vector<512x768xf32>
    %reduce_sum3A_11 = arith.constant dense<0.000000e+00> : vector<512xf32>
    %reduce_sum3A_12 = vector.multi_reduction <add>, %mul3A_10, %reduce_sum3A_11 [1] : vector<512x768xf32> to vector<512xf32>
    %broadcast_in_dim3A_13 = vector.shape_cast %reduce_sum3A_12 : vector<512xf32> to vector<512x1xf32>
    %mul3A_14 = arith.constant 0.00130208337 : f32
    %mul3A_15 = vector.broadcast %mul3A_14 : f32 to vector<512x1xf32>
    %mul3A_16 = arith.mulf %broadcast_in_dim3A_13, %mul3A_15 : vector<512x1xf32>
    %mul3A_17 = arith.mulf %mul3A_9, %mul3A_9 : vector<512x1xf32>
    %sub3A = arith.subf %mul3A_16, %mul3A_17 : vector<512x1xf32>
    %add3A_18 = arith.constant 9.99999996E-13 : f32
    %add3A_19 = vector.broadcast %add3A_18 : f32 to vector<512x1xf32>
    %add3A_20 = arith.addf %sub3A, %add3A_19 : vector<512x1xf32>
    %rsqrt3A = math.rsqrt %add3A_20 : vector<512x1xf32>
    %sub3A_21 = vector.broadcast %mul3A_9 : vector<512x1xf32> to vector<512x768xf32>
    %sub3A_22 = arith.subf %add3A, %sub3A_21 : vector<512x768xf32>
    %get3A_23 = arith.constant 0 : index
    %get3A_24 = arith.constant 0 : index
    %get3A_25 = vector.load %arg3[%get3A_23, %get3A_24] : memref<1x768xf32, #tpu.memory_space<vmem>>, vector<1x768xf32>
    %mul3A_26 = vector.broadcast %rsqrt3A : vector<512x1xf32> to vector<512x768xf32>
    %mul3A_27 = vector.broadcast %get3A_25 : vector<1x768xf32> to vector<512x768xf32>
    %mul3A_28 = arith.mulf %mul3A_26, %mul3A_27 : vector<512x768xf32>
    %mul3A_29 = arith.mulf %sub3A_22, %mul3A_28 : vector<512x768xf32>
    %get3A_30 = arith.constant 0 : index
    %get3A_31 = arith.constant 0 : index
    %get3A_32 = vector.load %arg4[%get3A_30, %get3A_31] : memref<1x768xf32, #tpu.memory_space<vmem>>, vector<1x768xf32>
    %add3A_33 = vector.broadcast %get3A_32 : vector<1x768xf32> to vector<512x768xf32>
    %add3A_34 = arith.addf %mul3A_29, %add3A_33 : vector<512x768xf32>
    %transpose3A = tpu.transpose %add3A_34, [1, 0] : vector<512x768xf32> -> vector<768x512xf32>
    %swap3A = arith.constant 0 : index
    %swap3A_35 = arith.constant 0 : index
    %swap3A_36 = arith.constant 0 : index
    %swap3A_37 = vector.load %arg5[%swap3A, %swap3A_35, %swap3A_36] : memref<4x768x512xf32, #tpu.memory_space<vmem>>, vector<1x768x512xf32>
    %swap3A_38 = vector.shape_cast %swap3A_37 : vector<1x768x512xf32> to vector<768x512xf32>
    %swap3A_39 = vector.shape_cast %transpose3A : vector<768x512xf32> to vector<1x768x512xf32>
    tpu.vector_store %arg5[%swap3A, %swap3A_35, %swap3A_36], %swap3A_39 {strides = array<i32>} : memref<4x768x512xf32, #tpu.memory_space<vmem>>, vector<1x768x512xf32>,
    %get3A_40 = arith.constant 1 : index
    %get3A_41 = arith.constant 0 : index
    %get3A_42 = arith.constant 0 : index
    %get3A_43 = vector.load %arg1[%get3A_40, %get3A_41, %get3A_42] : memref<4x512x768xf32, #tpu.memory_space<vmem>>, vector<1x512x768xf32>
    %get3A_44 = vector.shape_cast %get3A_43 : vector<1x512x768xf32> to vector<512x768xf32>
    %get3A_45 = arith.constant 0 : index
    %get3A_46 = arith.constant 0 : index
    %get3A_47 = vector.load %arg2[%get3A_45, %get3A_46] : memref<512x768xf32, #tpu.memory_space<vmem>>, vector<512x768xf32>
    %add3A_48 = arith.addf %get3A_44, %get3A_47 : vector<512x768xf32>
    %reduce_sum3A_49 = arith.constant dense<0.000000e+00> : vector<512xf32>
    %reduce_sum3A_50 = vector.multi_reduction <add>, %add3A_48, %reduce_sum3A_49 [1] : vector<512x768xf32> to vector<512xf32>
    %broadcast_in_dim3A_51 = vector.shape_cast %reduce_sum3A_50 : vector<512xf32> to vector<512x1xf32>
    %mul3A_52 = arith.constant 0.00130208337 : f32
    %mul3A_53 = vector.broadcast %mul3A_52 : f32 to vector<512x1xf32>
    %mul3A_54 = arith.mulf %broadcast_in_dim3A_51, %mul3A_53 : vector<512x1xf32>
    %mul3A_55 = arith.mulf %add3A_48, %add3A_48 : vector<512x768xf32>
    %reduce_sum3A_56 = arith.constant dense<0.000000e+00> : vector<512xf32>
    %reduce_sum3A_57 = vector.multi_reduction <add>, %mul3A_55, %reduce_sum3A_56 [1] : vector<512x768xf32> to vector<512xf32>
    %broadcast_in_dim3A_58 = vector.shape_cast %reduce_sum3A_57 : vector<512xf32> to vector<512x1xf32>
    %mul3A_59 = arith.constant 0.00130208337 : f32
    %mul3A_60 = vector.broadcast %mul3A_59 : f32 to vector<512x1xf32>
    %mul3A_61 = arith.mulf %broadcast_in_dim3A_58, %mul3A_60 : vector<512x1xf32>
    %mul3A_62 = arith.mulf %mul3A_54, %mul3A_54 : vector<512x1xf32>
    %sub3A_63 = arith.subf %mul3A_61, %mul3A_62 : vector<512x1xf32>
    %add3A_64 = arith.constant 9.99999996E-13 : f32
    %add3A_65 = vector.broadcast %add3A_64 : f32 to vector<512x1xf32>
    %add3A_66 = arith.addf %sub3A_63, %add3A_65 : vector<512x1xf32>
    %rsqrt3A_67 = math.rsqrt %add3A_66 : vector<512x1xf32>
    %sub3A_68 = vector.broadcast %mul3A_54 : vector<512x1xf32> to vector<512x768xf32>
    %sub3A_69 = arith.subf %add3A_48, %sub3A_68 : vector<512x768xf32>
    %get3A_70 = arith.constant 0 : index
    %get3A_71 = arith.constant 0 : index
    %get3A_72 = vector.load %arg3[%get3A_70, %get3A_71] : memref<1x768xf32, #tpu.memory_space<vmem>>, vector<1x768xf32>
    %mul3A_73 = vector.broadcast %rsqrt3A_67 : vector<512x1xf32> to vector<512x768xf32>
    %mul3A_74 = vector.broadcast %get3A_72 : vector<1x768xf32> to vector<512x768xf32>
    %mul3A_75 = arith.mulf %mul3A_73, %mul3A_74 : vector<512x768xf32>
    %mul3A_76 = arith.mulf %sub3A_69, %mul3A_75 : vector<512x768xf32>
    %get3A_77 = arith.constant 0 : index
    %get3A_78 = arith.constant 0 : index
    %get3A_79 = vector.load %arg4[%get3A_77, %get3A_78] : memref<1x768xf32, #tpu.memory_space<vmem>>, vector<1x768xf32>
    %add3A_80 = vector.broadcast %get3A_79 : vector<1x768xf32> to vector<512x768xf32>
    %add3A_81 = arith.addf %mul3A_76, %add3A_80 : vector<512x768xf32>
    %transpose3A_82 = tpu.transpose %add3A_81, [1, 0] : vector<512x768xf32> -> vector<768x512xf32>
    %swap3A_83 = arith.constant 1 : index
    %swap3A_84 = arith.constant 0 : index
    %swap3A_85 = arith.constant 0 : index
    %swap3A_86 = vector.load %arg5[%swap3A_83, %swap3A_84, %swap3A_85] : memref<4x768x512xf32, #tpu.memory_space<vmem>>, vector<1x768x512xf32>
    %swap3A_87 = vector.shape_cast %swap3A_86 : vector<1x768x512xf32> to vector<768x512xf32>
    %swap3A_88 = vector.shape_cast %transpose3A_82 : vector<768x512xf32> to vector<1x768x512xf32>
    tpu.vector_store %arg5[%swap3A_83, %swap3A_84, %swap3A_85], %swap3A_88 {strides = array<i32>} : memref<4x768x512xf32, #tpu.memory_space<vmem>>, vector<1x768x512xf32>,
    %get3A_89 = arith.constant 2 : index
    %get3A_90 = arith.constant 0 : index
    %get3A_91 = arith.constant 0 : index
    %get3A_92 = vector.load %arg1[%get3A_89, %get3A_90, %get3A_91] : memref<4x512x768xf32, #tpu.memory_space<vmem>>, vector<1x512x768xf32>
    %get3A_93 = vector.shape_cast %get3A_92 : vector<1x512x768xf32> to vector<512x768xf32>
    %get3A_94 = arith.constant 0 : index
    %get3A_95 = arith.constant 0 : index
    %get3A_96 = vector.load %arg2[%get3A_94, %get3A_95] : memref<512x768xf32, #tpu.memory_space<vmem>>, vector<512x768xf32>
    %add3A_97 = arith.addf %get3A_93, %get3A_96 : vector<512x768xf32>
    %reduce_sum3A_98 = arith.constant dense<0.000000e+00> : vector<512xf32>
    %reduce_sum3A_99 = vector.multi_reduction <add>, %add3A_97, %reduce_sum3A_98 [1] : vector<512x768xf32> to vector<512xf32>
    %broadcast_in_dim3A_100 = vector.shape_cast %reduce_sum3A_99 : vector<512xf32> to vector<512x1xf32>
    %mul3A_101 = arith.constant 0.00130208337 : f32
    %mul3A_102 = vector.broadcast %mul3A_101 : f32 to vector<512x1xf32>
    %mul3A_103 = arith.mulf %broadcast_in_dim3A_100, %mul3A_102 : vector<512x1xf32>
    %mul3A_104 = arith.mulf %add3A_97, %add3A_97 : vector<512x768xf32>
    %reduce_sum3A_105 = arith.constant dense<0.000000e+00> : vector<512xf32>
    %reduce_sum3A_106 = vector.multi_reduction <add>, %mul3A_104, %reduce_sum3A_105 [1] : vector<512x768xf32> to vector<512xf32>
    %broadcast_in_dim3A_107 = vector.shape_cast %reduce_sum3A_106 : vector<512xf32> to vector<512x1xf32>
    %mul3A_108 = arith.constant 0.00130208337 : f32
    %mul3A_109 = vector.broadcast %mul3A_108 : f32 to vector<512x1xf32>
    %mul3A_110 = arith.mulf %broadcast_in_dim3A_107, %mul3A_109 : vector<512x1xf32>
    %mul3A_111 = arith.mulf %mul3A_103, %mul3A_103 : vector<512x1xf32>
    %sub3A_112 = arith.subf %mul3A_110, %mul3A_111 : vector<512x1xf32>
    %add3A_113 = arith.constant 9.99999996E-13 : f32
    %add3A_114 = vector.broadcast %add3A_113 : f32 to vector<512x1xf32>
    %add3A_115 = arith.addf %sub3A_112, %add3A_114 : vector<512x1xf32>
    %rsqrt3A_116 = math.rsqrt %add3A_115 : vector<512x1xf32>
    %sub3A_117 = vector.broadcast %mul3A_103 : vector<512x1xf32> to vector<512x768xf32>
    %sub3A_118 = arith.subf %add3A_97, %sub3A_117 : vector<512x768xf32>
    %get3A_119 = arith.constant 0 : index
    %get3A_120 = arith.constant 0 : index
    %get3A_121 = vector.load %arg3[%get3A_119, %get3A_120] : memref<1x768xf32, #tpu.memory_space<vmem>>, vector<1x768xf32>
    %mul3A_122 = vector.broadcast %rsqrt3A_116 : vector<512x1xf32> to vector<512x768xf32>
    %mul3A_123 = vector.broadcast %get3A_121 : vector<1x768xf32> to vector<512x768xf32>
    %mul3A_124 = arith.mulf %mul3A_122, %mul3A_123 : vector<512x768xf32>
    %mul3A_125 = arith.mulf %sub3A_118, %mul3A_124 : vector<512x768xf32>
    %get3A_126 = arith.constant 0 : index
    %get3A_127 = arith.constant 0 : index
    %get3A_128 = vector.load %arg4[%get3A_126, %get3A_127] : memref<1x768xf32, #tpu.memory_space<vmem>>, vector<1x768xf32>
    %add3A_129 = vector.broadcast %get3A_128 : vector<1x768xf32> to vector<512x768xf32>
    %add3A_130 = arith.addf %mul3A_125, %add3A_129 : vector<512x768xf32>
    %transpose3A_131 = tpu.transpose %add3A_130, [1, 0] : vector<512x768xf32> -> vector<768x512xf32>
    %swap3A_132 = arith.constant 2 : index
    %swap3A_133 = arith.constant 0 : index
    %swap3A_134 = arith.constant 0 : index
    %swap3A_135 = vector.load %arg5[%swap3A_132, %swap3A_133, %swap3A_134] : memref<4x768x512xf32, #tpu.memory_space<vmem>>, vector<1x768x512xf32>
    %swap3A_136 = vector.shape_cast %swap3A_135 : vector<1x768x512xf32> to vector<768x512xf32>
    %swap3A_137 = vector.shape_cast %transpose3A_131 : vector<768x512xf32> to vector<1x768x512xf32>
    tpu.vector_store %arg5[%swap3A_132, %swap3A_133, %swap3A_134], %swap3A_137 {strides = array<i32>} : memref<4x768x512xf32, #tpu.memory_space<vmem>>, vector<1x768x512xf32>,
    %get3A_138 = arith.constant 3 : index
    %get3A_139 = arith.constant 0 : index
    %get3A_140 = arith.constant 0 : index
    %get3A_141 = vector.load %arg1[%get3A_138, %get3A_139, %get3A_140] : memref<4x512x768xf32, #tpu.memory_space<vmem>>, vector<1x512x768xf32>
    %get3A_142 = vector.shape_cast %get3A_141 : vector<1x512x768xf32> to vector<512x768xf32>
    %get3A_143 = arith.constant 0 : index
    %get3A_144 = arith.constant 0 : index
    %get3A_145 = vector.load %arg2[%get3A_143, %get3A_144] : memref<512x768xf32, #tpu.memory_space<vmem>>, vector<512x768xf32>
    %add3A_146 = arith.addf %get3A_142, %get3A_145 : vector<512x768xf32>
    %reduce_sum3A_147 = arith.constant dense<0.000000e+00> : vector<512xf32>
    %reduce_sum3A_148 = vector.multi_reduction <add>, %add3A_146, %reduce_sum3A_147 [1] : vector<512x768xf32> to vector<512xf32>
    %broadcast_in_dim3A_149 = vector.shape_cast %reduce_sum3A_148 : vector<512xf32> to vector<512x1xf32>
    %mul3A_150 = arith.constant 0.00130208337 : f32
    %mul3A_151 = vector.broadcast %mul3A_150 : f32 to vector<512x1xf32>
    %mul3A_152 = arith.mulf %broadcast_in_dim3A_149, %mul3A_151 : vector<512x1xf32>
    %mul3A_153 = arith.mulf %add3A_146, %add3A_146 : vector<512x768xf32>
    %reduce_sum3A_154 = arith.constant dense<0.000000e+00> : vector<512xf32>
    %reduce_sum3A_155 = vector.multi_reduction <add>, %mul3A_153, %reduce_sum3A_154 [1] : vector<512x768xf32> to vector<512xf32>
    %broadcast_in_dim3A_156 = vector.shape_cast %reduce_sum3A_155 : vector<512xf32> to vector<512x1xf32>
    %mul3A_157 = arith.constant 0.00130208337 : f32
    %mul3A_158 = vector.broadcast %mul3A_157 : f32 to vector<512x1xf32>
    %mul3A_159 = arith.mulf %broadcast_in_dim3A_156, %mul3A_158 : vector<512x1xf32>
    %mul3A_160 = arith.mulf %mul3A_152, %mul3A_152 : vector<512x1xf32>
    %sub3A_161 = arith.subf %mul3A_159, %mul3A_160 : vector<512x1xf32>
    %add3A_162 = arith.constant 9.99999996E-13 : f32
    %add3A_163 = vector.broadcast %add3A_162 : f32 to vector<512x1xf32>
    %add3A_164 = arith.addf %sub3A_161, %add3A_163 : vector<512x1xf32>
    %rsqrt3A_165 = math.rsqrt %add3A_164 : vector<512x1xf32>
    %sub3A_166 = vector.broadcast %mul3A_152 : vector<512x1xf32> to vector<512x768xf32>
    %sub3A_167 = arith.subf %add3A_146, %sub3A_166 : vector<512x768xf32>
    %get3A_168 = arith.constant 0 : index
    %get3A_169 = arith.constant 0 : index
    %get3A_170 = vector.load %arg3[%get3A_168, %get3A_169] : memref<1x768xf32, #tpu.memory_space<vmem>>, vector<1x768xf32>
    %mul3A_171 = vector.broadcast %rsqrt3A_165 : vector<512x1xf32> to vector<512x768xf32>
    %mul3A_172 = vector.broadcast %get3A_170 : vector<1x768xf32> to vector<512x768xf32>
    %mul3A_173 = arith.mulf %mul3A_171, %mul3A_172 : vector<512x768xf32>
    %mul3A_174 = arith.mulf %sub3A_167, %mul3A_173 : vector<512x768xf32>
    %get3A_175 = arith.constant 0 : index
    %get3A_176 = arith.constant 0 : index
    %get3A_177 = vector.load %arg4[%get3A_175, %get3A_176] : memref<1x768xf32, #tpu.memory_space<vmem>>, vector<1x768xf32>
    %add3A_178 = vector.broadcast %get3A_177 : vector<1x768xf32> to vector<512x768xf32>
    %add3A_179 = arith.addf %mul3A_174, %add3A_178 : vector<512x768xf32>
    %transpose3A_180 = tpu.transpose %add3A_179, [1, 0] : vector<512x768xf32> -> vector<768x512xf32>
    %swap3A_181 = arith.constant 3 : index
    %swap3A_182 = arith.constant 0 : index
    %swap3A_183 = arith.constant 0 : index
    %swap3A_184 = vector.load %arg5[%swap3A_181, %swap3A_182, %swap3A_183] : memref<4x768x512xf32, #tpu.memory_space<vmem>>, vector<1x768x512xf32>
    %swap3A_185 = vector.shape_cast %swap3A_184 : vector<1x768x512xf32> to vector<768x512xf32>
    %swap3A_186 = vector.shape_cast %transpose3A_180 : vector<768x512xf32> to vector<1x768x512xf32>
    tpu.vector_store %arg5[%swap3A_181, %swap3A_182, %swap3A_183], %swap3A_186 {strides = array<i32>} : memref<4x768x512xf32, #tpu.memory_space<vmem>>, vector<1x768x512xf32>,
    return
  }
  func.func @transform_0(%arg0: i32) -> (i32, i32, i32) {
    %c0_i32 = arith.constant 0 : i32
    %c0_i32_0 = arith.constant 0 : i32
    %c0_i32_1 = arith.constant 0 : i32
    return %arg0, %c0_i32, %c0_i32_0 : i32, i32, i32
  }
  func.func @transform_1(%arg0: i32) -> (i32, i32) {
    %c0_i32 = arith.constant 0 : i32
    %c0_i32_0 = arith.constant 0 : i32
    %c0_i32_1 = arith.constant 0 : i32
    return %c0_i32, %c0_i32_0 : i32, i32
  }
  func.func @transform_2(%arg0: i32) -> (i32, i32) {
    %c0_i32 = arith.constant 0 : i32
    %c0_i32_0 = arith.constant 0 : i32
    %c0_i32_1 = arith.constant 0 : i32
    return %c0_i32, %c0_i32_0 : i32, i32
  }
  func.func @transform_3(%arg0: i32) -> (i32, i32) {
    %c0_i32 = arith.constant 0 : i32
    %c0_i32_0 = arith.constant 0 : i32
    %c0_i32_1 = arith.constant 0 : i32
    return %c0_i32, %c0_i32_0 : i32, i32
  }
  func.func @transform_4(%arg0: i32) -> (i32, i32, i32) {
    %c0_i32 = arith.constant 0 : i32
    %c0_i32_0 = arith.constant 0 : i32
    %c0_i32_1 = arith.constant 0 : i32
    return %arg0, %c0_i32, %c0_i32_0 : i32, i32, i32
  }
}

</mosaic_0001>

<sc_bundles>
// kernel: kernel.4.cloned.1.call-start
scs
__scs_entry_jumppad:
0x0: {  	(pc) =	sbr.rel $0x88, $3  }
0x1: {  	(tag) =	ssettag $0x0;
	lr =	simm.s32 $0x1  }
0x2: {  	[smem:$0x3F9C] =	sst lr;
	_ =	strace $0xD0000000  }
0x3: {  	_ = 	snop  }
0x4: {  	_ = 	snop  }
0x5: {  	_ = 	snop  }
0x6: {  	_ = 	snop  }
0x7: {  	_ = 	snop  }
__scs_overlays_trampoline_lowered:
0x8: {  	[smem:$0x3FAB] =	sst s0  }
0x9: {  	[smem:$0x3FAC] =	sst s1  }
0xa: {  	[smem:$0x3FAD] =	sst s2  }
0xb: {  	[smem:$0x3FAE] =	sst s3  }
0xc: {  	[smem:$0x3FAF] =	sst s4  }
0xd: {  	[smem:$0x3FB0] =	sst s5  }
0xe: {  	[smem:$0x3FB1] =	sst s6  }
0xf: {  	[smem:$0x3FB2] =	sst s7  }
0x10: {  	[smem:$0x3FB3] =	sst s8  }
0x11: {  	[smem:$0x3FB4] =	sst s9;
	s0 =	simm.s32 @!p0 $0x0  }
0x12: {  	s1 =	sld [smem:$0x3F9A];
	s0 =	simm.s32 @p0 $0x1  }
0x13: {  	[smem:$0x3FB5] =	sst s0;
	s0 =	simm.s32 @!p1 $0x0  }
0x14: {  	s2 =	sld [smem:$0x3F99];
	s0 =	simm.s32 @p1 $0x1  }
0x15: {  	[smem:$0x3FB6] =	sst s0;
	s0 =	simm.s32 @!p2 $0x0  }
0x16: {  	s3 =	sld [smem:$0x3FDB];
	s0 =	simm.s32 @p2 $0x1  }
0x17: {  	s4 =	simm.s32 $0x1BF5;
	[smem:$0x3FB8] =	sst s0  }
0x18: {  	s0 =	sld [smem:$0x3F9B];
	_ =	swait.ge [sflag:s4], $0x0  }
0x19: {  	s7 =	sld [smem:$0x3F9C]  }
0x1a: {  	s8 =	sadd.s32 $0xFFFFE003, lr  }
0x1b: {  	s9 =	sadd.s32 $0xFFFFFEF7, lr;
	s5 =	simm.s32 $0xFFFFFFFF;
	p2 =	slt.u32 s8, $0xFFFFF086  }
0x1c: {  	p1 =	slt.u32 s9, $0xF7A;
	s5 =	simm.s32 @!p2 $0x0  }
0x1d: {  	s5 =	simm.s32 @p1 $0x1;
	p0 =	seq.s32 s7, s2  }
0x1e: {  	s7 =	smul.u32 @!p0 $0xF7A, s2;
	p2 =	seq.s32 @!p0 s5, $0x0  }
0x1f: {  	s9 =	smul.u32 $0xF7A, s1;
	s8 =	simm.s32 @!p0 $0x1BF5;
	p2 =	por !p2, p0  }
0x20: {  	[sflag:s8] =	ssyncset.s32 @!p0 $0xFFFFF086;
	s6 =	sadd.s32 @!p0 s3, s7;
	s7 =	simm.s32 @!p0 $0x108  }
0x21: {  	s3 =	sadd.s32 s3, s9;
	s6 =	sadd.s32 @!p0 $0x88, s6;
	s7 =	simm.s32 @p2 $0x1082  }
0x22: {  	[simem:s7], [sflag:s8] =	dma.local @!p0 [hbm:s6], $0xF7A  }
0x23: {  	s9 =	sor.u32 $0xD0000000, s2;
	s6 =	simm.s32 $0x108;
	_ =	swait.ge @!p0 [sflag:s8], $0x0  }
0x24: {  	s3 =	sadd.s32 $0x88, s3;
	s6 =	simm.s32 @!p1 $0x1082;
	[sflag:s4] =	ssyncset.s32 $0xFFFFF086  }
0x25: {  	[simem:s6], [sflag:s4] =	dma.local [hbm:s3], $0xF7A  }
0x26: {  	[smem:$0x3F9C] =	sst s1;
	(tag) =	ssettag s2;
	_ =	strace s9  }
0x27: {  	s1 =	sld [smem:$0x3FAC]  }
0x28: {  	s2 =	sld [smem:$0x3FAD]  }
0x29: {  	s4 =	sld [smem:$0x3FAF]  }
0x2a: {  	p0 =	seq.s32 s5, $0x0;
	s5 =	sld [smem:$0x3FB0]  }
0x2b: {  	s6 =	sld [smem:$0x3FB1]  }
0x2c: {  	s7 =	sld [smem:$0x3FB2]  }
0x2d: {  	s3 =	simm.s32 $0x108;
	s8 =	sld [smem:$0x3FB3]  }
0x2e: {  	s3 =	simm.s32 @!p0 $0x1082;
	s9 =	sld [smem:$0x3FB4]  }
0x2f: {  	lr =	sadd.s32 s0, s3;
	s0 =	sld [smem:$0x3FAB]  }
0x30: {  	s3 =	sld [smem:$0x3FAE]  }
0x31: {  	[smem:$0x3FB7] =	sst s10  }
0x32: {  	s10 =	sld [smem:$0x3FB5];
	_ =	sdelay $0x3  }
0x33: {  	p0 =	seq.s32 s10, $0x1;
	s10 =	sld [smem:$0x3FB7];
	_ =	sdelay $0x3  }
0x34: {  	[smem:$0x3FB7] =	sst s10  }
0x35: {  	s10 =	sld [smem:$0x3FB6];
	_ =	sdelay $0x3  }
0x36: {  	p1 =	seq.s32 s10, $0x1;
	s10 =	sld [smem:$0x3FB7];
	_ =	sdelay $0x3  }
0x37: {  	[smem:$0x3FB7] =	sst s10  }
0x38: {  	s10 =	sld [smem:$0x3FB8]  }
0x39: {  	_ = 	snop;
	(pc) =	sbr.ind lr, $3  }
0x3a: {  	_ = 	snop  }
0x3b: {  	_ = 	snop  }
0x3c: {  	p2 =	seq.s32 s10, $0x1;
	s10 =	sld [smem:$0x3FB7]  }
0x3d: {  	_ =	shalt  }
0x3e: {  	_ =	shalt  }
0x3f: {  	_ =	shalt  }
0x40: {  	_ =	shalt  }
0x41: {  	_ =	shalt  }
0x42: {  	_ =	shalt  }
0x43: {  	_ =	shalt  }
0x44: {  	_ =	shalt  }
0x45: {  	_ =	shalt  }
0x46: {  	_ =	shalt  }
0x47: {  	_ =	shalt  }
0x48: {  	_ =	shalt  }
0x49: {  	_ =	shalt  }
0x4a: {  	_ =	shalt  }
0x4b: {  	_ =	shalt  }
0x4c: {  	_ =	shalt  }
0x4d: {  	_ =	shalt  }
0x4e: {  	_ =	shalt  }
0x4f: {  	_ =	shalt  }
0x50: {  	_ =	shalt  }
0x51: {  	_ =	shalt  }
0x52: {  	_ =	shalt  }
0x53: {  	_ =	shalt  }
0x54: {  	_ =	shalt  }
0x55: {  	_ =	shalt  }
0x56: {  	_ =	shalt  }
0x57: {  	_ =	shalt  }
0x58: {  	_ =	shalt  }
0x59: {  	_ =	shalt  }
0x5a: {  	_ =	shalt  }
0x5b: {  	_ =	shalt  }
0x5c: {  	_ =	shalt  }
0x5d: {  	_ =	shalt  }
0x5e: {  	_ =	shalt  }
0x5f: {  	_ =	shalt  }
0x60: {  	_ =	shalt  }
0x61: {  	_ =	shalt  }
0x62: {  	_ =	shalt  }
0x63: {  	_ =	shalt  }
0x64: {  	_ =	shalt  }
0x65: {  	_ =	shalt  }
0x66: {  	_ =	shalt  }
0x67: {  	_ =	shalt  }
0x68: {  	_ =	shalt  }
0x69: {  	_ =	shalt  }
0x6a: {  	_ =	shalt  }
0x6b: {  	_ =	shalt  }
0x6c: {  	_ =	shalt  }
0x6d: {  	_ =	shalt  }
0x6e: {  	_ =	shalt  }
0x6f: {  	_ =	shalt  }
0x70: {  	_ =	shalt  }
0x71: {  	_ =	shalt  }
0x72: {  	_ =	shalt  }
0x73: {  	_ =	shalt  }
0x74: {  	_ =	shalt  }
0x75: {  	_ =	shalt  }
0x76: {  	_ =	shalt  }
0x77: {  	_ =	shalt  }
0x78: {  	_ =	shalt  }
0x79: {  	_ =	shalt  }
0x7a: {  	_ =	shalt  }
0x7b: {  	_ =	shalt  }
0x7c: {  	_ =	shalt  }
0x7d: {  	_ =	shalt  }
0x7e: {  	_ =	shalt  }
0x7f: {  	_ =	shalt  }
0x80: {  	_ =	shalt  }
0x81: {  	_ =	shalt  }
0x82: {  	_ =	shalt  }
0x83: {  	_ =	shalt  }
0x84: {  	_ =	shalt  }
0x85: {  	_ =	shalt  }
0x86: {  	_ =	shalt  }
0x87: {  	_ =	shalt  }
.Lfunc_end0:
.L_simem_size_0:
called_computation_lowered:
.L_overlay_start_0:
0x88: {  	s2 =	sld [smem:$0x3FD9]  }
0x89: {  	s3 =	sld [smem:$0x3FFE];
	_ =	sdelay $0x1  }
0x8a: {  	s1 =	srdreg.scid  }
0x8b: {  	s0 =	sand.u32 $0x1, s1  }
0x8c: {  	s17 =	sshll.u32 s0, $0xA;
	s2 =	sadd.s32 s3, s2  }
0x8d: {  	s2 =	sadd.s32 s2, s17  }
0x8e: {  	[smem:$0x3FC3] =	sst s2  }
0x8f: {  	_ = 	snop  }
0x90: {  	s2 =	sld [smem:$0x3FC8]  }
0x91: {  	s18 =	sld [smem:$0x3FD0];
	(tm) =	ssettm $0x1  }
0x92: {  	s4 =	sld [smem:$0x3FFB];
	_ =	sdelay $0x3  }
0x93: {  	_ =	strace s4  }
0x94: {  	s4 =	sld [smem:$0x3FFC];
	_ =	sdelay $0x3  }
0x95: {  	_ =	strace s4  }
0x96: {  	s4 =	sld [smem:$0x3FFD];
	_ =	sdelay $0x3  }
0x97: {  	_ =	strace s4  }
0x98: {  	_ =	strace $0x8FFFFFFF  }
0x99: {  	s19 =	sld [smem:$0x3FDB];
	_ =	sdelay $0x1  }
0x9a: {  	s5 =	simm.s32 $_scs_section_size  }
0x9b: {  	s6 =	simm.s32 $_size__tile_overlayer_lowered;
	s7 =	simm.s32 $_tile_overlayer_lowered  }
0x9c: {  	s22 =	simm.s32 $0x1BFF;
	s21 =	sshll.u32 s7, $0x1;
	s4 =	sadd.s32 s5, s19  }
0x9d: {  	s8 =	simm.s32 $0x0;
	s20 =	sshll.u32 s6, $0x1;
	s6 =	sadd.s32 s21, s4  }
0x9e: {  	[timem:s8], [sflag:s22] =	dma.local [hbm:s6], s20  }
0x9f: {  	_ =	swait.ge [sflag:s22], s20  }
0xa0: {  	s5 =	ssub.s32 $0x0, s20;
	[sflag:s22] =	ssyncset.done $0x0  }
0xa1: {  	[sflag:s22] =	ssyncadd.s32 s5;
	_ =	sdelay $0x1  }
0xa2: {  	s23 =	simm.s32 $0x1B8B  }
0xa3: {  	_ =	swait.ge [sflag:s23], $0x1  }
0xa4: {  	[sflag:s23] =	ssyncset.done $0x0  }
0xa5: {  	s25 =	simm.s32 $0x1B8E;
	s24 =	sld [smem:$0x3FFE];
	[sflag:s23] =	ssyncadd.s32 $0xFFFFFFFF  }
0xa6: {  	s26 =	simm.s32 $execute0_lowered;
	[smem:$0x3FD2] =	sst s25  }
0xa7: {  	s6 =	sshll.u32 s26, $0x1;
	_ =	strace $0x80000046;
	[dreg:$0x1] =	wrdreg $0xFFFFFFFF  }
0xa8: {  	s28 =	simm.s32 $_size_execute0_lowered;
	s4 =	sadd.s32 s4, s6;
	[dreg:$0x0] =	wrdreg $0x0  }
0xa9: {  	s6 =	sshll.u32 s28, $0x1;
	[dreg:$0x2] =	wrdreg s4  }
0xaa: {  	[dreg:$0x3] =	wrdreg s6  }
0xab: {  	[dreg:$0x4] =	wrdreg $0xC0  }
0xac: {  	_ =	task [dreg:s8], $0x5FFFF  }
0xad: {  	[dreg:$0x1] =	wrdreg $0xFFFFFFFF  }
0xae: {  	[dreg:$0x0] =	wrdreg $0x60  }
0xaf: {  	[dreg:$0x2] =	wrdreg s2  }
0xb0: {  	[dreg:$0x3] =	wrdreg s18  }
0xb1: {  	[dreg:$0x4] =	wrdreg s24  }
0xb2: {  	[dreg:$0x5] =	wrdreg $0x9  }
0xb3: {  	_ =	task.clear_ibuf [dreg:s8], $0x6FFFF;
	_ =	strace $0x90000046  }
0xb4: {  	s29 =	simm.s32 $0x9;
	_ =	strace $0x80000048  }
0xb5: {  	_ =	swait.ge [sflag:s29], $0x1  }
0xb6: {  	[sflag:s29] =	ssyncadd.s32 $0xFFFFFFFF  }
0xb7: {  	_ =	strace $0x90000048  }
0xb8: {  	_ =	sfence  }
0xb9: {  	s30 =	sld [smem:$0x0];
	_ =	sdelay $0x2  }
0xba: {  	s31 =	sshll.u32 s1, $0xD;
	s1 =	sshrl.u32 s1, $0x2  }
0xbb: {  	s3 =	sand.u32 $0x4000, s31;
	s1 =	sadd.s32 s1, s30  }
0xbc: {  	s0 =	sor.u32 s3, s0;
	s1 =	sshll.u32 s1, $0x11  }
0xbd: {  	s0 =	sor.u32 s1, s0  }
0xbe: {  	s0 =	sadd.s32 $0x8F2B, s0  }
0xbf: {  	[sflag:s0] =	ssyncadd.remote.s32 $0x1  }
0xc0: {  	_ =	sfence.sel $0xFFFF  }
0xc1: {  	[dreg:$0x0] =	wrdreg $0xFFFFFFFF;
	(pc) =	sbr.abs _section_cstart, $3  }
0xc2: {  	[dreg:$0x1] =	wrdreg $0xFFFFFFFF  }
0xc3: {  	_ =	task.clear_ibuf [dreg:s8], $0x2FFFF;
	_ =	strace $0x9FFFFFFF  }
0xc4: {  	(tm) =	ssettm $0x7FFFFFFF  }
0xc5: {  	_ =	shalt  }
tec
execute0_lowered:
.L_overlay_start_1:
0x0: {  	(tag) =	ssettag $0x1  }
0x1: {  	s1 =	rddreg [dreg:$0x0]  }
0x2: {  	s0 =	rddreg [dreg:$0x1]  }
0x3: {  	s2 =	rddreg [dreg:$0x2];
	s3 =	srdreg.scid  }
0x4: {  	s5 =	stileid.u32;
	s16 =	simm.s32 $0x1;
	s17 =	simm.s32 $0xC400  }
0x5: {  	s28 =	simm.s32 $0x12400;
	s29 =	simm.s32 $0x12C00;
	s30 =	simm.s32 $0x13400  }
0x6: {  	s31 =	simm.s32 $0x13C00;
	s13 =	simm.s32 $0x15400;
	s14 =	simm.s32 $0x15C00  }
0x7: {  	s15 =	simm.s32 $0x16400;
	s18 =	simm.s32 $0x16C00;
	s19 =	simm.s32 $0x17400  }
0x8: {  	s20 =	simm.s32 $0x17C00;
	s21 =	simm.s32 $0x3;
	s22 =	simm.s32 $0x4  }
0x9: {  	s23 =	simm.s32 $0x6;
	s11 =	simm.s32 $0x0;
	s4 =	sand.u32 $0x1, s3  }
0xa: {  	s3 =	simm.s32 $0x0;
	s5 =	sshll.u32 s5, $0xB;
	s2 =	sadd.s32 $0xA00, s2  }
0xb: {  	s6 =	sshll.u32 s4, $0xA;
	[smem:$0x7FF] =	sst s3;
	s4 =	ssub.s32 $0x2, s4  }
0xc: {  	s5 =	sor.u32 s6, s5;
	_ =	strace $0x80000047;
	s8 =	sshrl.u32 s4, $0x1  }
0xd: {  	s6 =	sor.u32 $0x40, s5;
	s7 =	sor.u32 $0x60, s5;
	s25 =	sshrl.u32 s5, $0x3  }
0xe: {  	s4 =	ssub.s32 s4, s8;
	s6 =	sshrl.u32 s6, $0x3;
	s26 =	smul.u32 $0x300, s25  }
0xf: {  	s5 =	sadd.s32 $0x100, s1;
	s24 =	sshrl.u32 s7, $0x3;
	s9 =	smul.u32 $0x300, s6  }
.Ltmp0:
0x10: {  	s0 =	sadd.s32 s0, s25;
	s4 =	smax.u32 s4, $0x1;
	(pc) =	sbr.rel .LBB2_1-.Ltmp0, $4  }
0x11: {  	s25 =	simm.s32 $0x11C00;
	s10 =	smul.u32 $0x300, s24;
	[dreg:$0x4] =	wrdreg s0  }
0x12: {  	v2 =	vlaneseq.u32;
	s6 =	sadd.s32 $0x200, s1;
	[dreg:$0x5] =	wrdreg s4;
	s24 =	simm.s32 $0x6400  }
0x13: {  	vm0 =	vmmov $0xffff;
	v1 =	vshrl.u32 v2, $0x3;
	s0 =	simm.s32 $0x14400;
	s8 =	sadd.s32 s9, s2;
	s9 =	sadd.s32 s10, s2  }
0x14: {  	v0 =	vand.u32 $0x7, v2;
	v2 =	vor.u32 $0x8, v2;
	v1 =	vmul.u32 $0x8, v1;
	s10 =	sadd.s32 s26, s2;
	s26 =	simm.s32 $0x2;
	s2 =	simm.s32 $0x14C00  }
.LBB2_4:
0x15: {  	s4 =	simm.s32 $0x5  }
0x16: {  	_ =	swait.ge [sflag:s4], $0x6000  }
0x17: {  	[sflag:s4] =	ssyncset.done $0x0  }
0x18: {  	[sflag:s4] =	ssyncadd.s32 $0xFFFFA000  }
0x19: {  	_ =	swait.ge [sflag:s23], $0x6000  }
0x1a: {  	[sflag:s23] =	ssyncset.done $0x0  }
0x1b: {  	s11 =	simm.s32 $0x7;
	[sflag:s23] =	ssyncadd.s32 $0xFFFFA000  }
0x1c: {  	_ =	swait.ge [sflag:s11], $0x6000  }
0x1d: {  	[sflag:s11] =	ssyncset.done $0x0  }
0x1e: {  	s7 =	simm.s32 $0x8;
	[sflag:s11] =	ssyncadd.s32 $0xFFFFA000  }
0x1f: {  	_ =	swait.ge [sflag:s7], $0x6000  }
0x20: {  	s11 =	rddreg [dreg:$0x6]  }
0x21: {  	s12 =	rddreg [dreg:$0x5];
	s11 =	sadd.s32 $0x1, s11  }
0x22: {  	p0 =	sne.s32 s11, s12  }
.Ltmp1:
0x23: {  	_ = 	snop;
	(pc) =	sbr.rel @!p0 .LBB2_5-.Ltmp1, $3  }
0x24: {  	_ =	sdelay $0x1  }
0x25: {  	[sflag:s7] =	ssyncset.done $0x0  }
0x26: {  	[sflag:s7] =	ssyncadd.s32 $0xFFFFA000  }
.LBB2_1:
0x27: {  	[dreg:$0x6] =	wrdreg s11  }
0x28: {  	s4 =	rddreg [dreg:$0x4];
	s7 =	simm.s32 $0x9  }
0x29: {  	[tilespmem:s3], [sflag:$0x9] =	stream.linear.gather [hbm4b:s4+s3], $0x400, $0x38;
	[tilespmem:$0x18400] =	vst v63  }
0x2a: {  	_ =	swait.ge [sflag:s7], $0x400  }
0x2b: {  	[sflag:s7] =	ssyncset.done $0x0  }
0x2c: {  	[sflag:s7] =	ssyncadd.s32 $0xFFFFFC00  }
0x2d: {  	v3 =	vld [tilespmem:$0x0];
	_ =	sdelay $0x4  }
0x2e: {  	v4 =	vshrl.u32 v3, $0x3  }
0x2f: {  	v4 =	vmul.u32 $0x30, v4  }
0x30: {  	v3 =	vand.u32 $0x7, v3  }
0x31: {  	v3 =	vor.u32 v3, v4  }
0x32: {  	v4 =	vperm.xlane v3, v0;
	_ =	sdelay $0x1  }
0x33: {  	v4 =	vadd.s32 v1, v4;
	_ =	sdelay $0x3  }
0x34: {  	s11 =	simm.s32 $0x400;
	v3 =	vperm.xlane v3, v2  }
0x35: {  	[tilespmem:s11], [sflag:$0x1] =	stream.indirect_vreg.gather [hbm4b:s1+s3], $0x80, v4, vm0, $0xb8;
	[tilespmem:$0x18400] =	vst v63  }
0x36: {  	s12 =	simm.s32 $0xC00;
	v3 =	vadd.s32 v1, v3  }
0x37: {  	[tilespmem:s12], [sflag:$0x1] =	stream.indirect_vreg.gather [hbm4b:s5+s3], $0x80, v4, vm0, $0xb8;
	[tilespmem:$0x18400] =	vst v63  }
0x38: {  	s7 =	simm.s32 $0x1400  }
0x39: {  	[tilespmem:s7], [sflag:$0x1] =	stream.indirect_vreg.gather [hbm4b:s6+s3], $0x80, v4, vm0, $0xb8;
	[tilespmem:$0x18400] =	vst v63  }
0x3a: {  	s11 =	simm.s32 $0x1C00  }
0x3b: {  	[tilespmem:s11], [sflag:$0x1] =	stream.indirect_vreg.gather [hbm4b:s1+s3], $0x80, v3, vm0, $0xb8;
	[tilespmem:$0x18400] =	vst v63  }
0x3c: {  	s12 =	simm.s32 $0x2400  }
0x3d: {  	[tilespmem:s12], [sflag:$0x1] =	stream.indirect_vreg.gather [hbm4b:s5+s3], $0x80, v3, vm0, $0xb8;
	[tilespmem:$0x18400] =	vst v63  }
0x3e: {  	s7 =	simm.s32 $0x2C00  }
0x3f: {  	[tilespmem:s7], [sflag:$0x1] =	stream.indirect_vreg.gather [hbm4b:s6+s3], $0x80, v3, vm0, $0xb8;
	[tilespmem:$0x18400] =	vst v63  }
0x40: {  	v3 =	vld [tilespmem:$0x10];
	_ =	sdelay $0x4  }
0x41: {  	v61 =	vshrl.u32 v3, $0x3  }
0x42: {  	v4 =	vmul.u32 $0x30, v61  }
0x43: {  	v3 =	vand.u32 $0x7, v3  }
0x44: {  	v3 =	vor.u32 v3, v4  }
0x45: {  	v4 =	vperm.xlane v3, v0;
	_ =	sdelay $0x1  }
0x46: {  	v4 =	vadd.s32 v1, v4;
	_ =	sdelay $0x3  }
0x47: {  	s11 =	simm.s32 $0x3400;
	v3 =	vperm.xlane v3, v2  }
0x48: {  	[tilespmem:s11], [sflag:$0x1] =	stream.indirect_vreg.gather [hbm4b:s1+s3], $0x80, v4, vm0, $0xb8;
	[tilespmem:$0x18400] =	vst v63  }
0x49: {  	s12 =	simm.s32 $0x3C00;
	v3 =	vadd.s32 v1, v3  }
0x4a: {  	[tilespmem:s12], [sflag:$0x1] =	stream.indirect_vreg.gather [hbm4b:s5+s3], $0x80, v4, vm0, $0xb8;
	[tilespmem:$0x18400] =	vst v63  }
0x4b: {  	s7 =	simm.s32 $0x4400  }
0x4c: {  	[tilespmem:s7], [sflag:$0x1] =	stream.indirect_vreg.gather [hbm4b:s6+s3], $0x80, v4, vm0, $0xb8;
	[tilespmem:$0x18400] =	vst v63  }
0x4d: {  	s11 =	simm.s32 $0x4C00  }
0x4e: {  	[tilespmem:s11], [sflag:$0x1] =	stream.indirect_vreg.gather [hbm4b:s1+s3], $0x80, v3, vm0, $0xb8;
	[tilespmem:$0x18400] =	vst v63  }
0x4f: {  	s12 =	simm.s32 $0x5400  }
0x50: {  	[tilespmem:s12], [sflag:$0x1] =	stream.indirect_vreg.gather [hbm4b:s5+s3], $0x80, v3, vm0, $0xb8;
	[tilespmem:$0x18400] =	vst v63  }
0x51: {  	s7 =	simm.s32 $0x5C00  }
0x52: {  	[tilespmem:s7], [sflag:$0x1] =	stream.indirect_vreg.gather [hbm4b:s6+s3], $0x80, v3, vm0, $0xb8;
	[tilespmem:$0x18400] =	vst v63  }
0x53: {  	v3 =	vld [tilespmem:$0x20];
	_ =	sdelay $0x4  }
0x54: {  	v62 =	vshrl.u32 v3, $0x3  }
0x55: {  	v4 =	vmul.u32 $0x30, v62  }
0x56: {  	v3 =	vand.u32 $0x7, v3  }
0x57: {  	v3 =	vor.u32 v3, v4  }
0x58: {  	v4 =	vperm.xlane v3, v0;
	_ =	sdelay $0x1  }
0x59: {  	v4 =	vadd.s32 v1, v4;
	_ =	sdelay $0x3  }
0x5a: {  	v3 =	vperm.xlane v3, v2  }
0x5b: {  	[tilespmem:s24], [sflag:$0x2] =	stream.indirect_vreg.gather [hbm4b:s1+s3], $0x80, v4, vm0, $0xb8;
	[tilespmem:$0x18400] =	vst v63  }
0x5c: {  	s11 =	simm.s32 $0x6C00;
	v3 =	vadd.s32 v1, v3  }
0x5d: {  	[tilespmem:s11], [sflag:$0x2] =	stream.indirect_vreg.gather [hbm4b:s5+s3], $0x80, v4, vm0, $0xb8;
	[tilespmem:$0x18400] =	vst v63  }
0x5e: {  	s12 =	simm.s32 $0x7400  }
0x5f: {  	[tilespmem:s12], [sflag:$0x2] =	stream.indirect_vreg.gather [hbm4b:s6+s3], $0x80, v4, vm0, $0xb8;
	[tilespmem:$0x18400] =	vst v63  }
0x60: {  	s7 =	simm.s32 $0x7C00  }
0x61: {  	[tilespmem:s7], [sflag:$0x2] =	stream.indirect_vreg.gather [hbm4b:s1+s3], $0x80, v3, vm0, $0xb8;
	[tilespmem:$0x18400] =	vst v63  }
0x62: {  	s11 =	simm.s32 $0x8400  }
0x63: {  	[tilespmem:s11], [sflag:$0x2] =	stream.indirect_vreg.gather [hbm4b:s5+s3], $0x80, v3, vm0, $0xb8;
	[tilespmem:$0x18400] =	vst v63  }
0x64: {  	s12 =	simm.s32 $0x8C00  }
0x65: {  	[tilespmem:s12], [sflag:$0x2] =	stream.indirect_vreg.gather [hbm4b:s6+s3], $0x80, v3, vm0, $0xb8;
	[tilespmem:$0x18400] =	vst v63  }
0x66: {  	v3 =	vld [tilespmem:$0x30];
	_ =	sdelay $0x4  }
0x67: {  	v63 =	vshrl.u32 v3, $0x3  }
0x68: {  	v4 =	vmul.u32 $0x30, v63  }
0x69: {  	v3 =	vand.u32 $0x7, v3  }
0x6a: {  	v3 =	vor.u32 v3, v4  }
0x6b: {  	v4 =	vperm.xlane v3, v0;
	_ =	sdelay $0x1  }
0x6c: {  	v4 =	vadd.s32 v1, v4;
	_ =	sdelay $0x3  }
0x6d: {  	s7 =	simm.s32 $0x9400;
	v3 =	vperm.xlane v3, v2  }
0x6e: {  	[tilespmem:s7], [sflag:$0x2] =	stream.indirect_vreg.gather [hbm4b:s1+s3], $0x80, v4, vm0, $0xb8;
	[tilespmem:$0x18400] =	vst v63  }
0x6f: {  	s11 =	simm.s32 $0x9C00;
	v3 =	vadd.s32 v1, v3  }
0x70: {  	[tilespmem:s11], [sflag:$0x2] =	stream.indirect_vreg.gather [hbm4b:s5+s3], $0x80, v4, vm0, $0xb8;
	[tilespmem:$0x18400] =	vst v63  }
0x71: {  	s12 =	simm.s32 $0xA400  }
0x72: {  	[tilespmem:s12], [sflag:$0x2] =	stream.indirect_vreg.gather [hbm4b:s6+s3], $0x80, v4, vm0, $0xb8;
	[tilespmem:$0x18400] =	vst v63  }
0x73: {  	s7 =	simm.s32 $0xAC00  }
0x74: {  	[tilespmem:s7], [sflag:$0x2] =	stream.indirect_vreg.gather [hbm4b:s1+s3], $0x80, v3, vm0, $0xb8;
	[tilespmem:$0x18400] =	vst v63  }
0x75: {  	s11 =	simm.s32 $0xB400  }
0x76: {  	[tilespmem:s11], [sflag:$0x2] =	stream.indirect_vreg.gather [hbm4b:s5+s3], $0x80, v3, vm0, $0xb8;
	[tilespmem:$0x18400] =	vst v63  }
0x77: {  	s4 =	simm.s32 $0x60;
	s12 =	simm.s32 $0xBC00;
	s7 =	simm.s32 $0x0  }
0x78: {  	[tilespmem:s12], [sflag:$0x2] =	stream.indirect_vreg.gather [hbm4b:s6+s3], $0x80, v3, vm0, $0xb8;
	[tilespmem:$0x18400] =	vst v63  }
.LBB2_2:
0x79: {  	_ =	swait.ge [sflag:s16], $0x6000  }
0x7a: {  	s11 =	sadd.s32 s7, s10;
	[sflag:s16] =	ssyncset.done $0x0  }
0x7b: {  	s12 =	simm.s32 $0x400;
	p0 =	seq.s32 s7, $0x0;
	[sflag:s16] =	ssyncadd.s32 $0xFFFFA000  }
0x7c: {  	[hbm4b:s11+s3] =	stream.linear.scatter [tilespmem:s12], [sflag:$0x5], $0x6000, $0x38;
	[tilespmem:$0x18400] =	vst v63  }
0x7d: {  	s12 =	simm.s32 @!p0 $0x7  }
0x7e: {  	_ =	swait.ge @!p0 [sflag:s12], $0x6000  }
0x7f: {  	[sflag:s12] =	ssyncset.done @!p0 $0x0  }
0x80: {  	[sflag:s12] =	ssyncadd.s32 @!p0 $0xFFFFA000  }
0x81: {  	v3 =	vld [tilespmem:s4+$0xFFFFFFE0];
	_ =	sdelay $0x4  }
0x82: {  	v4 =	vshrl.u32 v3, $0x3  }
0x83: {  	v4 =	vmul.u32 $0x30, v4  }
0x84: {  	v3 =	vand.u32 $0x7, v3  }
0x85: {  	v3 =	vor.u32 v3, v4  }
0x86: {  	v4 =	vperm.xlane v3, v0;
	_ =	sdelay $0x1  }
0x87: {  	v4 =	vadd.s32 v1, v4;
	_ =	sdelay $0x3  }
0x88: {  	v3 =	vperm.xlane v3, v2  }
0x89: {  	[tilespmem:s17], [sflag:$0x3] =	stream.indirect_vreg.gather [hbm4b:s1+s3], $0x80, v4, vm0, $0xb8;
	[tilespmem:$0x18400] =	vst v63  }
0x8a: {  	s12 =	simm.s32 $0xCC00;
	v3 =	vadd.s32 v1, v3  }
0x8b: {  	[tilespmem:s12], [sflag:$0x3] =	stream.indirect_vreg.gather [hbm4b:s5+s3], $0x80, v4, vm0, $0xb8;
	[tilespmem:$0x18400] =	vst v63  }
0x8c: {  	s12 =	simm.s32 $0xD400  }
0x8d: {  	[tilespmem:s12], [sflag:$0x3] =	stream.indirect_vreg.gather [hbm4b:s6+s3], $0x80, v4, vm0, $0xb8;
	[tilespmem:$0x18400] =	vst v63  }
0x8e: {  	s12 =	simm.s32 $0xDC00  }
0x8f: {  	[tilespmem:s12], [sflag:$0x3] =	stream.indirect_vreg.gather [hbm4b:s1+s3], $0x80, v3, vm0, $0xb8;
	[tilespmem:$0x18400] =	vst v63  }
0x90: {  	s12 =	simm.s32 $0xE400  }
0x91: {  	[tilespmem:s12], [sflag:$0x3] =	stream.indirect_vreg.gather [hbm4b:s5+s3], $0x80, v3, vm0, $0xb8;
	[tilespmem:$0x18400] =	vst v63  }
0x92: {  	s12 =	simm.s32 $0xEC00  }
0x93: {  	[tilespmem:s12], [sflag:$0x3] =	stream.indirect_vreg.gather [hbm4b:s6+s3], $0x80, v3, vm0, $0xb8;
	[tilespmem:$0x18400] =	vst v63  }
0x94: {  	v3 =	vld [tilespmem:s4+$0xFFFFFFF0];
	_ =	sdelay $0x4  }
0x95: {  	v61 =	vshrl.u32 v3, $0x3  }
0x96: {  	v4 =	vmul.u32 $0x30, v61  }
0x97: {  	v3 =	vand.u32 $0x7, v3  }
0x98: {  	v3 =	vor.u32 v3, v4  }
0x99: {  	v4 =	vperm.xlane v3, v0;
	_ =	sdelay $0x1  }
0x9a: {  	v4 =	vadd.s32 v1, v4;
	_ =	sdelay $0x3  }
0x9b: {  	s12 =	simm.s32 $0xF400;
	v3 =	vperm.xlane v3, v2  }
0x9c: {  	[tilespmem:s12], [sflag:$0x3] =	stream.indirect_vreg.gather [hbm4b:s1+s3], $0x80, v4, vm0, $0xb8;
	[tilespmem:$0x18400] =	vst v63  }
0x9d: {  	v3 =	vadd.s32 v1, v3;
	s12 =	simm.s32 $0xFC00  }
0x9e: {  	[tilespmem:s12], [sflag:$0x3] =	stream.indirect_vreg.gather [hbm4b:s5+s3], $0x80, v4, vm0, $0xb8;
	[tilespmem:$0x18400] =	vst v63  }
0x9f: {  	s12 =	simm.s32 $0x10400  }
0xa0: {  	[tilespmem:s12], [sflag:$0x3] =	stream.indirect_vreg.gather [hbm4b:s6+s3], $0x80, v4, vm0, $0xb8;
	[tilespmem:$0x18400] =	vst v63  }
0xa1: {  	s12 =	simm.s32 $0x10C00  }
0xa2: {  	[tilespmem:s12], [sflag:$0x3] =	stream.indirect_vreg.gather [hbm4b:s1+s3], $0x80, v3, vm0, $0xb8;
	[tilespmem:$0x18400] =	vst v63  }
0xa3: {  	s12 =	simm.s32 $0x11400  }
0xa4: {  	[tilespmem:s12], [sflag:$0x3] =	stream.indirect_vreg.gather [hbm4b:s5+s3], $0x80, v3, vm0, $0xb8;
	[tilespmem:$0x18400] =	vst v63  }
0xa5: {  	_ = 	snop  }
0xa6: {  	[tilespmem:s25], [sflag:$0x3] =	stream.indirect_vreg.gather [hbm4b:s6+s3], $0x80, v3, vm0, $0xb8;
	[tilespmem:$0x18400] =	vst v63  }
0xa7: {  	_ =	swait.ge [sflag:s26], $0x6000  }
0xa8: {  	[sflag:s26] =	ssyncset.done $0x0  }
0xa9: {  	s11 =	sadd.s32 $0xC00, s11;
	[sflag:s26] =	ssyncadd.s32 $0xFFFFA000  }
0xaa: {  	[hbm4b:s11+s3] =	stream.linear.scatter [tilespmem:s24], [sflag:$0x6], $0x6000, $0x38;
	[tilespmem:$0x18400] =	vst v63  }
0xab: {  	s11 =	simm.s32 @!p0 $0x8  }
0xac: {  	_ =	swait.ge @!p0 [sflag:s11], $0x6000  }
0xad: {  	[sflag:s11] =	ssyncset.done @!p0 $0x0  }
0xae: {  	[sflag:s11] =	ssyncadd.s32 @!p0 $0xFFFFA000  }
0xaf: {  	v3 =	vld [tilespmem:s4+$0x0];
	_ =	sdelay $0x4  }
0xb0: {  	v62 =	vshrl.u32 v3, $0x3  }
0xb1: {  	v4 =	vmul.u32 $0x30, v62  }
0xb2: {  	v3 =	vand.u32 $0x7, v3  }
0xb3: {  	v3 =	vor.u32 v3, v4  }
0xb4: {  	v4 =	vperm.xlane v3, v0;
	_ =	sdelay $0x1  }
0xb5: {  	v4 =	vadd.s32 v1, v4;
	_ =	sdelay $0x3  }
0xb6: {  	v3 =	vperm.xlane v3, v2  }
0xb7: {  	[tilespmem:s28], [sflag:$0x4] =	stream.indirect_vreg.gather [hbm4b:s1+s3], $0x80, v4, vm0, $0xb8;
	[tilespmem:$0x18400] =	vst v63  }
0xb8: {  	v3 =	vadd.s32 v1, v3  }
0xb9: {  	[tilespmem:s29], [sflag:$0x4] =	stream.indirect_vreg.gather [hbm4b:s5+s3], $0x80, v4, vm0, $0xb8;
	[tilespmem:$0x18400] =	vst v63  }
0xba: {  	_ = 	snop  }
0xbb: {  	[tilespmem:s30], [sflag:$0x4] =	stream.indirect_vreg.gather [hbm4b:s6+s3], $0x80, v4, vm0, $0xb8;
	[tilespmem:$0x18400] =	vst v63  }
0xbc: {  	_ = 	snop  }
0xbd: {  	[tilespmem:s31], [sflag:$0x4] =	stream.indirect_vreg.gather [hbm4b:s1+s3], $0x80, v3, vm0, $0xb8;
	[tilespmem:$0x18400] =	vst v63  }
0xbe: {  	_ = 	snop  }
0xbf: {  	[tilespmem:s0], [sflag:$0x4] =	stream.indirect_vreg.gather [hbm4b:s5+s3], $0x80, v3, vm0, $0xb8;
	[tilespmem:$0x18400] =	vst v63  }
0xc0: {  	_ = 	snop  }
0xc1: {  	[tilespmem:s2], [sflag:$0x4] =	stream.indirect_vreg.gather [hbm4b:s6+s3], $0x80, v3, vm0, $0xb8;
	[tilespmem:$0x18400] =	vst v63  }
0xc2: {  	v3 =	vld [tilespmem:s4+$0x10];
	_ =	sdelay $0x4  }
0xc3: {  	v63 =	vshrl.u32 v3, $0x3  }
0xc4: {  	v4 =	vmul.u32 $0x30, v63  }
0xc5: {  	v3 =	vand.u32 $0x7, v3  }
0xc6: {  	v3 =	vor.u32 v3, v4  }
0xc7: {  	v4 =	vperm.xlane v3, v0;
	_ =	sdelay $0x1  }
0xc8: {  	v4 =	vadd.s32 v1, v4;
	_ =	sdelay $0x3  }
0xc9: {  	v3 =	vperm.xlane v3, v2  }
0xca: {  	[tilespmem:s13], [sflag:$0x4] =	stream.indirect_vreg.gather [hbm4b:s1+s3], $0x80, v4, vm0, $0xb8;
	[tilespmem:$0x18400] =	vst v63  }
0xcb: {  	v3 =	vadd.s32 v1, v3  }
0xcc: {  	[tilespmem:s14], [sflag:$0x4] =	stream.indirect_vreg.gather [hbm4b:s5+s3], $0x80, v4, vm0, $0xb8;
	[tilespmem:$0x18400] =	vst v63  }
0xcd: {  	_ = 	snop  }
0xce: {  	[tilespmem:s15], [sflag:$0x4] =	stream.indirect_vreg.gather [hbm4b:s6+s3], $0x80, v4, vm0, $0xb8;
	[tilespmem:$0x18400] =	vst v63  }
0xcf: {  	_ = 	snop  }
0xd0: {  	[tilespmem:s18], [sflag:$0x4] =	stream.indirect_vreg.gather [hbm4b:s1+s3], $0x80, v3, vm0, $0xb8;
	[tilespmem:$0x18400] =	vst v63  }
0xd1: {  	_ = 	snop  }
0xd2: {  	[tilespmem:s19], [sflag:$0x4] =	stream.indirect_vreg.gather [hbm4b:s5+s3], $0x80, v3, vm0, $0xb8;
	[tilespmem:$0x18400] =	vst v63  }
0xd3: {  	_ = 	snop  }
0xd4: {  	[tilespmem:s20], [sflag:$0x4] =	stream.indirect_vreg.gather [hbm4b:s6+s3], $0x80, v3, vm0, $0xb8;
	[tilespmem:$0x18400] =	vst v63  }
0xd5: {  	_ =	swait.ge [sflag:s21], $0x6000  }
0xd6: {  	p0 =	seq.s32 s7, $0x15000;
	[sflag:s21] =	ssyncset.done $0x0  }
0xd7: {  	s12 =	sadd.s32 s7, s8;
	s11 =	simm.s32 @!p0 $0x5;
	[sflag:s21] =	ssyncadd.s32 $0xFFFFA000  }
0xd8: {  	[hbm4b:s12+s3] =	stream.linear.scatter [tilespmem:s17], [sflag:$0x7], $0x6000, $0x38;
	[tilespmem:$0x18400] =	vst v63  }
0xd9: {  	_ =	swait.ge @!p0 [sflag:s11], $0x6000  }
0xda: {  	[sflag:s11] =	ssyncset.done @!p0 $0x0  }
0xdb: {  	[sflag:s11] =	ssyncadd.s32 @!p0 $0xFFFFA000  }
0xdc: {  	v3 =	vld @!p0 [tilespmem:s4+$0x20];
	_ =	sdelay $0x4  }
0xdd: {  	v4 =	vshrl.u32 @!p0 v3, $0x3  }
0xde: {  	v4 =	vmul.u32 @!p0 $0x30, v4  }
0xdf: {  	v5 =	vlaneseq.u32 @!p0;
	v3 =	vand.u32 @!p0 $0x7, v3  }
0xe0: {  	v6 =	vshrl.u32 @!p0 v5, $0x3;
	v3 =	vor.u32 @!p0 v3, v4;
	v4 =	vand.u32 @!p0 $0x7, v5  }
0xe1: {  	v6 =	vmul.u32 @!p0 $0x8, v6;
	v7 =	vperm.xlane @!p0 v3, v4;
	_ =	sdelay $0x1  }
0xe2: {  	v7 =	vadd.s32 @!p0 v6, v7;
	_ =	sdelay $0x2  }
0xe3: {  	v5 =	vor.u32 @!p0 $0x8, v5  }
0xe4: {  	vm1 =	vmmov @!p0 $0xffff;
	s12 =	simm.s32 @!p0 $0x400;
	s11 =	simm.s32 @!p0 $0x0;
	v3 =	vperm.xlane @!p0 v3, v5  }
0xe5: {  	[tilespmem:s12], [sflag:$0x1] =	stream.indirect_vreg.gather @!p0 [hbm4b:s1+s11], $0x80, v7, vm1, $0xb8;
	[tilespmem:$0x18400] =	vst v63  }
0xe6: {  	v3 =	vadd.s32 @!p0 v6, v3;
	s12 =	simm.s32 @!p0 $0xC00  }
0xe7: {  	[tilespmem:s12], [sflag:$0x1] =	stream.indirect_vreg.gather @!p0 [hbm4b:s5+s11], $0x80, v7, vm1, $0xb8;
	[tilespmem:$0x18400] =	vst v63  }
0xe8: {  	s12 =	simm.s32 @!p0 $0x1400  }
0xe9: {  	[tilespmem:s12], [sflag:$0x1] =	stream.indirect_vreg.gather @!p0 [hbm4b:s6+s11], $0x80, v7, vm1, $0xb8;
	[tilespmem:$0x18400] =	vst v63  }
0xea: {  	s12 =	simm.s32 @!p0 $0x1C00  }
0xeb: {  	[tilespmem:s12], [sflag:$0x1] =	stream.indirect_vreg.gather @!p0 [hbm4b:s1+s11], $0x80, v3, vm1, $0xb8;
	[tilespmem:$0x18400] =	vst v63  }
0xec: {  	s12 =	simm.s32 @!p0 $0x2400  }
0xed: {  	[tilespmem:s12], [sflag:$0x1] =	stream.indirect_vreg.gather @!p0 [hbm4b:s5+s11], $0x80, v3, vm1, $0xb8;
	[tilespmem:$0x18400] =	vst v63  }
0xee: {  	s12 =	simm.s32 @!p0 $0x2C00  }
0xef: {  	[tilespmem:s12], [sflag:$0x1] =	stream.indirect_vreg.gather @!p0 [hbm4b:s6+s11], $0x80, v3, vm1, $0xb8;
	[tilespmem:$0x18400] =	vst v63  }
0xf0: {  	v3 =	vld @!p0 [tilespmem:s4+$0x30];
	_ =	sdelay $0x4  }
0xf1: {  	v7 =	vshrl.u32 @!p0 v3, $0x3  }
0xf2: {  	v7 =	vmul.u32 @!p0 $0x30, v7  }
0xf3: {  	v3 =	vand.u32 @!p0 $0x7, v3  }
0xf4: {  	v3 =	vor.u32 @!p0 v3, v7  }
0xf5: {  	v4 =	vperm.xlane @!p0 v3, v4;
	_ =	sdelay $0x1  }
0xf6: {  	v4 =	vadd.s32 @!p0 v6, v4;
	_ =	sdelay $0x3  }
0xf7: {  	s12 =	simm.s32 @!p0 $0x3400;
	v3 =	vperm.xlane @!p0 v3, v5  }
0xf8: {  	[tilespmem:s12], [sflag:$0x1] =	stream.indirect_vreg.gather @!p0 [hbm4b:s1+s11], $0x80, v4, vm1, $0xb8;
	[tilespmem:$0x18400] =	vst v63  }
0xf9: {  	v3 =	vadd.s32 @!p0 v6, v3;
	s12 =	simm.s32 @!p0 $0x3C00  }
0xfa: {  	[tilespmem:s12], [sflag:$0x1] =	stream.indirect_vreg.gather @!p0 [hbm4b:s5+s11], $0x80, v4, vm1, $0xb8;
	[tilespmem:$0x18400] =	vst v63  }
0xfb: {  	s12 =	simm.s32 @!p0 $0x4400  }
0xfc: {  	[tilespmem:s12], [sflag:$0x1] =	stream.indirect_vreg.gather @!p0 [hbm4b:s6+s11], $0x80, v4, vm1, $0xb8;
	[tilespmem:$0x18400] =	vst v63  }
0xfd: {  	s12 =	simm.s32 @!p0 $0x4C00  }
0xfe: {  	[tilespmem:s12], [sflag:$0x1] =	stream.indirect_vreg.gather @!p0 [hbm4b:s1+s11], $0x80, v3, vm1, $0xb8;
	[tilespmem:$0x18400] =	vst v63  }
0xff: {  	s12 =	simm.s32 @!p0 $0x5400  }
0x100: {  	[tilespmem:s12], [sflag:$0x1] =	stream.indirect_vreg.gather @!p0 [hbm4b:s5+s11], $0x80, v3, vm1, $0xb8;
	[tilespmem:$0x18400] =	vst v63  }
0x101: {  	s12 =	simm.s32 @!p0 $0x5C00  }
0x102: {  	[tilespmem:s12], [sflag:$0x1] =	stream.indirect_vreg.gather @!p0 [hbm4b:s6+s11], $0x80, v3, vm1, $0xb8;
	[tilespmem:$0x18400] =	vst v63  }
.Ltmp2:
0x103: {  	_ = 	snop;
	(pc) =	sbr.rel @p0 .LBB2_4-.Ltmp2, $4  }
0x104: {  	_ =	swait.ge [sflag:s22], $0x6000  }
0x105: {  	[sflag:s22] =	ssyncset.done $0x0  }
0x106: {  	s12 =	sadd.s32 s7, s9;
	[sflag:s22] =	ssyncadd.s32 $0xFFFFA000  }
0x107: {  	[hbm4b:s12+s3] =	stream.linear.scatter [tilespmem:s28], [sflag:$0x8], $0x6000, $0x38;
	[tilespmem:$0x18400] =	vst v63  }
0x108: {  	_ =	swait.ge [sflag:s23], $0x6000  }
0x109: {  	[sflag:s23] =	ssyncset.done $0x0  }
0x10a: {  	[sflag:s23] =	ssyncadd.s32 $0xFFFFA000  }
0x10b: {  	v3 =	vld [tilespmem:s4+$0x40];
	_ =	sdelay $0x4  }
0x10c: {  	v4 =	vshrl.u32 v3, $0x3  }
0x10d: {  	v4 =	vmul.u32 $0x30, v4  }
0x10e: {  	v3 =	vand.u32 $0x7, v3  }
0x10f: {  	v3 =	vor.u32 v3, v4  }
0x110: {  	v4 =	vperm.xlane v3, v0;
	_ =	sdelay $0x1  }
0x111: {  	v4 =	vadd.s32 v1, v4;
	_ =	sdelay $0x3  }
0x112: {  	v3 =	vperm.xlane v3, v2  }
0x113: {  	[tilespmem:s24], [sflag:$0x2] =	stream.indirect_vreg.gather [hbm4b:s1+s3], $0x80, v4, vm0, $0xb8;
	[tilespmem:$0x18400] =	vst v63  }
0x114: {  	s11 =	simm.s32 $0x6C00;
	v3 =	vadd.s32 v1, v3  }
0x115: {  	[tilespmem:s11], [sflag:$0x2] =	stream.indirect_vreg.gather [hbm4b:s5+s3], $0x80, v4, vm0, $0xb8;
	[tilespmem:$0x18400] =	vst v63  }
0x116: {  	s12 =	simm.s32 $0x7400  }
0x117: {  	[tilespmem:s12], [sflag:$0x2] =	stream.indirect_vreg.gather [hbm4b:s6+s3], $0x80, v4, vm0, $0xb8;
	[tilespmem:$0x18400] =	vst v63  }
0x118: {  	s12 =	simm.s32 $0x7C00  }
0x119: {  	[tilespmem:s12], [sflag:$0x2] =	stream.indirect_vreg.gather [hbm4b:s1+s3], $0x80, v3, vm0, $0xb8;
	[tilespmem:$0x18400] =	vst v63  }
0x11a: {  	s12 =	simm.s32 $0x8400  }
0x11b: {  	[tilespmem:s12], [sflag:$0x2] =	stream.indirect_vreg.gather [hbm4b:s5+s3], $0x80, v3, vm0, $0xb8;
	[tilespmem:$0x18400] =	vst v63  }
0x11c: {  	s12 =	simm.s32 $0x8C00  }
0x11d: {  	[tilespmem:s12], [sflag:$0x2] =	stream.indirect_vreg.gather [hbm4b:s6+s3], $0x80, v3, vm0, $0xb8;
	[tilespmem:$0x18400] =	vst v63  }
0x11e: {  	v3 =	vld [tilespmem:s4+$0x50];
	_ =	sdelay $0x4  }
0x11f: {  	v63 =	vshrl.u32 v3, $0x3  }
0x120: {  	v4 =	vmul.u32 $0x30, v63  }
0x121: {  	v3 =	vand.u32 $0x7, v3  }
0x122: {  	v3 =	vor.u32 v3, v4  }
0x123: {  	v4 =	vperm.xlane v3, v0;
	_ =	sdelay $0x1  }
0x124: {  	v4 =	vadd.s32 v1, v4;
	_ =	sdelay $0x3  }
0x125: {  	s12 =	simm.s32 $0x9400;
	v3 =	vperm.xlane v3, v2  }
0x126: {  	[tilespmem:s12], [sflag:$0x2] =	stream.indirect_vreg.gather [hbm4b:s1+s3], $0x80, v4, vm0, $0xb8;
	[tilespmem:$0x18400] =	vst v63  }
0x127: {  	v3 =	vadd.s32 v1, v3;
	s12 =	simm.s32 $0x9C00  }
0x128: {  	[tilespmem:s12], [sflag:$0x2] =	stream.indirect_vreg.gather [hbm4b:s5+s3], $0x80, v4, vm0, $0xb8;
	[tilespmem:$0x18400] =	vst v63  }
0x129: {  	s12 =	simm.s32 $0xA400  }
0x12a: {  	[tilespmem:s12], [sflag:$0x2] =	stream.indirect_vreg.gather [hbm4b:s6+s3], $0x80, v4, vm0, $0xb8;
	[tilespmem:$0x18400] =	vst v63  }
0x12b: {  	s12 =	simm.s32 $0xAC00  }
0x12c: {  	[tilespmem:s12], [sflag:$0x2] =	stream.indirect_vreg.gather [hbm4b:s1+s3], $0x80, v3, vm0, $0xb8;
	[tilespmem:$0x18400] =	vst v63  }
.Ltmp3:
0x12d: {  	_ = 	snop;
	(pc) =	sbr.rel .LBB2_2-.Ltmp3, $4  }
0x12e: {  	s12 =	simm.s32 $0xB400  }
0x12f: {  	[tilespmem:s12], [sflag:$0x2] =	stream.indirect_vreg.gather [hbm4b:s5+s3], $0x80, v3, vm0, $0xb8;
	[tilespmem:$0x18400] =	vst v63  }
0x130: {  	s7 =	sadd.s32 $0x3000, s7;
	s4 =	sadd.s32 $0x80, s4;
	s12 =	simm.s32 $0xBC00  }
0x131: {  	[tilespmem:s12], [sflag:$0x2] =	stream.indirect_vreg.gather [hbm4b:s6+s3], $0x80, v3, vm0, $0xb8;
	[tilespmem:$0x18400] =	vst v63  }
.LBB2_5:
0x132: {  	_ =	sfence.sel $0x180000  }
0x133: {  	[bflag:$0x0] =	sbarrier.arrive $0xFFFF  }
0x134: {  	_ =	strace $0x90000047  }
0x135: {  	s0 =	stileid.u32;
	[bflag:$0x2] =	sbarrier.arrive $0xFFFF  }
0x136: {  	p0 =	sne.s32 s0, $0x0;
	s0 =	rddreg [dreg:$0x3]  }
0x137: {  	s0 =	sadd.s32 @!p0 $0x100000, s0  }
0x138: {  	[sflag:s0] =	ssyncadd.tile.s32 @!p0 $0x1;
	_ =	shalt  }
.Lfunc_end2:
_tile_overlayer_lowered:
.L_overlay_start_2:
0x139: {  	(tag) =	ssettag $0x2  }
0x13a: {  	s0 =	rddreg [dreg:$0x0];
	s2 =	stileid.u32  }
0x13b: {  	s1 =	rddreg [dreg:$0x1];
	p0 =	sne.s32 s2, $0x0  }
0x13c: {  	s3 =	rddreg [dreg:$0x2];
	[bflag:$0x3] =	sbarrier.arrive $0xFFFF;
	s2 =	simm.s32 @!p0 $0x1C09  }
0x13d: {  	[timem:s3], [sflag:s2] =	dma.local @!p0 [hbm:s0], s1  }
0x13e: {  	s0 =	simm.s32 @!p0 $0x9  }
0x13f: {  	_ =	swait.ge @!p0 [sflag:s0], s1  }
0x140: {  	s1 =	ssub.s32 @!p0 $0x0, s1;
	[sflag:s0] =	ssyncset.done @!p0 $0x0  }
0x141: {  	[sflag:s0] =	ssyncadd.s32 @!p0 s1  }
0x142: {  	[bflag:$0x3] =	sbarrier.arrive $0xFFFF  }
0x143: {  	_ =	shalt  }

</sc_bundles>
